<compile_context>
chip_gen: v7x
topology: tpu7x:2x2x1
jax: 0.10.2.dev20260603
libtpu: 0.0.44.dev20260713+nightly
codegen_flags: <defaults>
</compile_context>

<pallas_src>
import jax
import jax.numpy as jnp
from jax import lax
from jax.experimental import pallas as pl
from jax.experimental.pallas import tpu as pltpu
from jax.experimental.pallas import tpu_sc as plsc

VOCAB = 100000
HIDDEN = 64
BATCH = 32
SEQ = 16
K = 8
MASK_TOKEN_ID = 103

ROWS = BATCH * SEQ
CHUNK = 20000
NCHUNK = VOCAB // CHUNK
VECS = CHUNK // 16

LN2 = 0.6931471805599453
_C5 = 0.043929099810201704
_C4 = -0.18983442828196562
_C3 = 0.4115641479248468
_C2 = -0.7072548989690077
_C1 = 1.4415923923106577
_C0 = 1.4372503465891318e-05

_NC = 2
_NS = 16
_NW = _NC * _NS
_RPW = ROWS // _NW


def _lane_sum(x, lane):
    for sh in (8, 4, 2, 1):
        x = x + x.at[lane ^ sh].get(mode="promise_in_bounds")
    return x


def _lane_max(x, lane):
    for sh in (8, 4, 2, 1):
        x = jnp.maximum(x, x.at[lane ^ sh].get(mode="promise_in_bounds"))
    return x


def _shuf(x, perm):
    return x.at[perm].get(mode="promise_in_bounds")


def _cmpex(keys, vals, lane, j, want_min):
    pk = _shuf(keys, lane ^ j)
    pv = _shuf(vals, lane ^ j)
    nk = jnp.where(want_min, jnp.minimum(keys, pk), jnp.maximum(keys, pk))
    nv = jnp.where(want_min, jnp.where(keys <= pk, vals, pv),
                   jnp.where(keys >= pk, vals, pv))
    return nk, nv


def _bitonic_sort_desc(keys, vals, lane):
    for kb in (1, 2, 3):
        for jb in range(kb - 1, -1, -1):
            want_min = (((lane >> kb) ^ (lane >> jb)) & 1) == 0
            keys, vals = _cmpex(keys, vals, lane, 1 << jb, want_min)
    for jb in (3, 2, 1, 0):
        want_min = ((lane >> jb) & 1) == 1
        keys, vals = _cmpex(keys, vals, lane, 1 << jb, want_min)
    return keys, vals


def _bitonic_merge_desc(keys, vals, lane):
    for jb in (3, 2, 1, 0):
        want_min = ((lane >> jb) & 1) == 1
        keys, vals = _cmpex(keys, vals, lane, 1 << jb, want_min)
    return keys, vals


def _body(probs_hbm, x_hbm, emb_hbm, params_hbm, out_hbm,
          chunk_v, t_val, t_idx, x_v, params_v, idx_v, rows_v, out_v,
          w_v, thr_s, sem):
    wid = lax.axis_index("s") * _NC + lax.axis_index("c")
    lane = lax.iota(jnp.int32, 16)
    neg_inf = jnp.full((16,), -jnp.inf, jnp.float32)

    pltpu.sync_copy(x_hbm.at[pl.ds(pl.multiple_of(wid * _RPW, 8), _RPW)], x_v)
    pltpu.sync_copy(params_hbm, params_v)

    def row_body(j, carry):
        row = wid * _RPW + j
        t_val[...] = neg_inf
        t_idx[...] = jnp.zeros((16,), jnp.int32)
        thr_s[0] = -jnp.inf

        def chunk_body(c, acc):
            off = row * VOCAB + c * CHUNK
            pltpu.sync_copy(
                probs_hbm.at[pl.ds(pl.multiple_of(off, 8), CHUNK)], chunk_v)

            def vec_body(i, acc):
                v = chunk_v[pl.ds(i * 16, 16)]
                bits = lax.bitcast_convert_type(v, jnp.int32)
                e = (bits >> 23) - 127
                m = lax.bitcast_convert_type(
                    (bits & 0x7FFFFF) | 0x3F800000, jnp.float32)
                t = m - 1.0
                poly = _C5 * t + _C4
                poly = poly * t + _C3
                poly = poly * t + _C2
                poly = poly * t + _C1
                poly = poly * t + _C0
                l2 = e.astype(jnp.float32) + poly
                acc = acc + v * l2

                hit = _lane_max(v, lane)[0] > thr_s[0]

                @pl.when(hit)
                def _():
                    ci = c * CHUNK + i * 16 + lane
                    sv, si = _bitonic_sort_desc(v, ci, lane)
                    rv = _shuf(sv, 15 - lane)
                    ri = _shuf(si, 15 - lane)
                    l8 = lane < 8
                    cv = jnp.where(l8, t_val[...], rv)
                    cidx = jnp.where(l8, t_idx[...], ri)
                    mv, mi = _bitonic_merge_desc(cv, cidx, lane)
                    t_val[...] = jnp.where(l8, mv, neg_inf)
                    t_idx[...] = jnp.where(l8, mi, 0)
                    thr_s[0] = mv[7]

                return acc

            return lax.fori_loop(0, VECS, vec_body, acc)

        acc = lax.fori_loop(0, NCHUNK, chunk_body, jnp.zeros((16,), jnp.float32))

        tv = t_val[...]
        ti = t_idx[...]
        xt_vec = x_v[...].at[jnp.full((16,), j, jnp.int32)].get(
            mode="promise_in_bounds")
        l8 = lane < 8
        gidx = jnp.where(l8, ti, 0)
        gidx = jnp.where(lane == 8, xt_vec, gidx)
        idx_v[...] = gidx >> 1
        hbits = gidx & 1
        cp = pltpu.make_async_copy(emb_hbm.at[idx_v], rows_v, sem)
        cp.start()
        cp.wait()

        wr = jnp.where(l8, tv, 0.0)
        w_v[...] = wr / (_lane_sum(wr, lane) + 1e-10)

        pvs = params_v[pl.ds(0, 16)]
        pva = params_v[pl.ds(16, 16)]
        pvb = params_v[pl.ds(32, 16)]
        entropy = -LN2 * _lane_sum(acc, lane)
        inner = pva * (-entropy - pvb)
        lam = pvs / (1.0 + jnp.exp(-inner))
        d = jnp.abs(xt_vec - MASK_TOKEN_ID)
        is_mask_f = (1 - jnp.minimum(d, 1)).astype(jnp.float32)
        lam_eff = lam * is_mask_f

        wv = w_v[...]
        hbits_f = hbits.astype(jnp.float32)
        half = [_shuf(hbits_f, jnp.full((16,), k, jnp.int32))
                for k in range(K + 1)]
        for h in range(HIDDEN // 16):
            def pick(k):
                lo = rows_v[k, pl.ds(h * 16, 16)]
                hi = rows_v[k, pl.ds(64 + h * 16, 16)]
                return lo + half[k] * (hi - lo)
            real = pick(K)
            fb = jnp.zeros((16,), jnp.float32)
            for k in range(K):
                fb = fb + wv[k] * pick(k)
            out_v[pl.ds(h * 16, 16)] = real + lam_eff * (fb - real)

        pltpu.sync_copy(
            out_v, out_hbm.at[pl.ds(pl.multiple_of(row * HIDDEN, 8), HIDDEN)])
        return carry

    lax.fori_loop(0, _RPW, row_body, 0)


@jax.jit
def _run(probs_flat, x_flat, emb_table, params):
    mesh = plsc.VectorSubcoreMesh(core_axis_name="c", subcore_axis_name="s")
    f = pl.kernel(
        _body,
        out_type=jax.ShapeDtypeStruct((ROWS * HIDDEN,), jnp.float32),
        mesh=mesh,
        scratch_types=[
            pltpu.VMEM((CHUNK,), jnp.float32),
            pltpu.VMEM((16,), jnp.float32),
            pltpu.VMEM((16,), jnp.int32),
            pltpu.VMEM((_RPW,), jnp.int32),
            pltpu.VMEM((48,), jnp.float32),
            pltpu.VMEM((16,), jnp.int32),
            pltpu.VMEM((16, 128), jnp.float32),
            pltpu.VMEM((HIDDEN,), jnp.float32),
            pltpu.VMEM((16,), jnp.float32),
            pltpu.SMEM((1,), jnp.float32),
            pltpu.SemaphoreType.DMA,
        ],
    )
    return f(probs_flat, x_flat, emb_table.reshape(VOCAB // 2, 128), params)


def kernel(x_t, probs, emb_table, omega_s, omega_a, omega_b):
    probs_flat = probs.reshape(ROWS * VOCAB)
    x_flat = x_t.reshape(ROWS).astype(jnp.int32)
    params = jnp.concatenate([
        jnp.full((16,), jax.nn.sigmoid(omega_s), jnp.float32),
        jnp.full((16,), jax.nn.softplus(omega_a), jnp.float32),
        jnp.full((16,), -jax.nn.softplus(omega_b), jnp.float32),
    ])
    out = _run(probs_flat, x_flat, emb_table, params)
    return out.reshape(BATCH, SEQ, HIDDEN)

# --- scband reference (transcript-rebuilt; emitter-appended) ---
"""Pipeline reference for scband-soft-masking-module-25271587570014 (READ-ONLY COPY).

The authoritative reference and input builder live on the scoring server;
editing this copy changes nothing except your own understanding.
"""

import jax, jax.numpy as jnp
import numpy as np

VOCAB = 100000
HIDDEN = 64
BATCH = 32
SEQ = 16
K = 8
MASK_TOKEN_ID = 103
OMEGA_S_INIT = 0.5
OMEGA_A_INIT = 0.9
OMEGA_B_INIT = 0.3


def setup_inputs(seed: int = 0) -> dict:
    key = jax.random.key(seed)
    k1, k2, k3, k4 = jax.random.split(key, 4)
    x_t = jax.random.randint(k1, (BATCH, SEQ), 0, VOCAB)
    # force roughly half the positions to be [MASK] so the mask branch is exercised
    mask_pos = jax.random.bernoulli(k4, 0.5, (BATCH, SEQ))
    x_t = jnp.where(mask_pos, MASK_TOKEN_ID, x_t).astype(jnp.int32)
    logits = jax.random.normal(k2, (BATCH, SEQ, VOCAB), dtype=jnp.float32)
    probs = jax.nn.softmax(logits, axis=-1)
    emb_table = jax.random.normal(k3, (VOCAB, HIDDEN), dtype=jnp.float32) * 0.02
    omega_s = jnp.asarray(OMEGA_S_INIT, dtype=jnp.float32)
    omega_a = jnp.asarray(OMEGA_A_INIT, dtype=jnp.float32)
    omega_b = jnp.asarray(OMEGA_B_INIT, dtype=jnp.float32)
    return {"x_t": x_t, "probs": probs, "emb_table": emb_table,
            "omega_s": omega_s, "omega_a": omega_a, "omega_b": omega_b}


def _entr(p):
    # torch.special.entr: -p*log(p) for p>0, 0 at p==0
    return jnp.where(p > 0, -p * jnp.log(jnp.where(p > 0, p, 1.0)), 0.0)


def reference(x_t, probs, emb_table, omega_s, omega_a, omega_b):
    is_mask = (x_t == MASK_TOKEN_ID)[..., None]                       # (B,S,1)
    real_embeds = jnp.take(emb_table, x_t, axis=0)                    # (B,S,H)

    # top-k feedback embeddings
    topk_probs, topk_indices = jax.lax.top_k(probs, K)                # (B,S,K)
    topk_probs_norm = topk_probs / (jnp.sum(topk_probs, axis=-1, keepdims=True) + 1e-10)
    topk_embeds = jnp.take(emb_table, topk_indices, axis=0)           # (B,S,K,H)
    feedback_embeds = jnp.sum(topk_embeds * topk_probs_norm[..., None], axis=2)  # (B,S,H)

    # lambda mixing coefficient
    entropy = jnp.sum(_entr(probs), axis=-1)                          # (B,S)
    real_omega_s = jax.nn.sigmoid(omega_s)
    real_omega_a = jax.nn.softplus(omega_a)
    real_omega_b = -jax.nn.softplus(omega_b)
    inner = real_omega_a * (-entropy - real_omega_b)
    lam = (real_omega_s * jax.nn.sigmoid(inner))[..., None]           # (B,S,1)

    # linear interpolation (interp_mode='linear')
    soft_mask_embeds = (1.0 - lam) * real_embeds + lam * feedback_embeds
    final_embeds = jnp.where(is_mask, soft_mask_embeds, real_embeds)
    return final_embeds

if __name__ == "__main__":
    import jax
    _d = setup_inputs()
    print(jax.jit(kernel)(*tuple(_d.values())))

</pallas_src>

<mosaic_0001>
#map = affine_map<(d0, d1) -> (0)>
#map1 = affine_map<(d0, d1) -> (0, 0)>
module attributes {stable_mosaic.version = 14 : i64} {
  func.func @_body(%arg0: i32, %arg1: i32, %arg2: memref<51200000xf32, #tpu.memory_space<hbm>>, %arg3: memref<512xi32, #tpu.memory_space<hbm>>, %arg4: memref<50000x128xf32, #tpu.memory_space<hbm>>, %arg5: memref<48xf32, #tpu.memory_space<hbm>>, %arg6: memref<32768xf32, #tpu.memory_space<hbm>>, %arg7: memref<20000xf32, #tpu.memory_space<vmem>>, %arg8: memref<16xf32, #tpu.memory_space<vmem>>, %arg9: memref<16xi32, #tpu.memory_space<vmem>>, %arg10: memref<16xi32, #tpu.memory_space<vmem>>, %arg11: memref<48xf32, #tpu.memory_space<vmem>>, %arg12: memref<16xi32, #tpu.memory_space<vmem>>, %arg13: memref<16x128xf32, #tpu.memory_space<vmem>>, %arg14: memref<64xf32, #tpu.memory_space<vmem>>, %arg15: memref<16xf32, #tpu.memory_space<vmem>>, %arg16: memref<1xf32, #tpu.memory_space<smem>>, %arg17: memref<!tpu.dma_semaphore, #tpu.memory_space<semaphore_mem>>) attributes {dimension_semantics = [#tpu.dimension_semantics<core_parallel>, #tpu.dimension_semantics<subcore_parallel>], iteration_bounds = array<i64: 2, 16>, scalar_prefetch = 0 : i64, scratch_operands = 11 : i64, tpu.core_type = #tpu.core_type<sc_vector_subcore>, window_params = [{transform_indices = #map}, {transform_indices = #map}, {transform_indices = #map1}, {transform_indices = #map}, {transform_indices = #map}]} {
    %mul3A = arith.constant 2 : i32
    %mul3A_0 = arith.muli %arg1, %mul3A : i32
    %add3A = arith.addi %mul3A_0, %arg0 : i32
    %iota3A = tpu.iota {dimensions = array<i32: 0>} : vector<16xi32>
    %broadcast_in_dim3A = arith.constant 0xFF800000 : f32
    %broadcast_in_dim3A_1 = vector.broadcast %broadcast_in_dim3A : f32 to vector<16xf32>
    %mul3A_2 = arith.constant 16 : i32
    %mul3A_3 = arith.muli %add3A, %mul3A_2 : i32
    %multiple_of3A = tpu.assume_multiple %mul3A_3, 8 : i32
    "tpu.region"() ({
      %run_scoped3A = tpu.sem_alloc : memref<!tpu.dma_semaphore, #tpu.memory_space<semaphore_mem>>
      %dma_start3A = tpu.memref_slice %arg3[%multiple_of3A] : memref<512xi32, #tpu.memory_space<hbm>> -> memref<16xi32, #tpu.memory_space<hbm>>
      %dma_start3A_9 = tpu.memref_slice %arg3[%multiple_of3A] : memref<512xi32, #tpu.memory_space<hbm>> -> memref<16xi32, #tpu.memory_space<hbm>>
      tpu.enqueue_dma source(%dma_start3A_9 : memref<16xi32, #tpu.memory_space<hbm>>) target(%arg10 : memref<16xi32, #tpu.memory_space<vmem>>) target_semaphore(%run_scoped3A : memref<!tpu.dma_semaphore, #tpu.memory_space<semaphore_mem>>)
      %dma_wait3A = tpu.memref_slice %arg3[%multiple_of3A] : memref<512xi32, #tpu.memory_space<hbm>> -> memref<16xi32, #tpu.memory_space<hbm>>
      %dma_wait3A_10 = tpu.memref_slice %arg3[%multiple_of3A] : memref<512xi32, #tpu.memory_space<hbm>> -> memref<16xi32, #tpu.memory_space<hbm>>
      tpu.wait_dma2 semaphore(%run_scoped3A : memref<!tpu.dma_semaphore, #tpu.memory_space<semaphore_mem>>) src(%dma_wait3A_10 : memref<16xi32, #tpu.memory_space<hbm>>) dst(%arg10 : memref<16xi32, #tpu.memory_space<vmem>>)
      tpu.yield
    }) : () -> ()
    "tpu.region"() ({
      %run_scoped3A = tpu.sem_alloc : memref<!tpu.dma_semaphore, #tpu.memory_space<semaphore_mem>>
      tpu.enqueue_dma source(%arg5 : memref<48xf32, #tpu.memory_space<hbm>>) target(%arg11 : memref<48xf32, #tpu.memory_space<vmem>>) target_semaphore(%run_scoped3A : memref<!tpu.dma_semaphore, #tpu.memory_space<semaphore_mem>>)
      tpu.wait_dma2 semaphore(%run_scoped3A : memref<!tpu.dma_semaphore, #tpu.memory_space<semaphore_mem>>) src(%arg5 : memref<48xf32, #tpu.memory_space<hbm>>) dst(%arg11 : memref<48xf32, #tpu.memory_space<vmem>>)
      tpu.yield
    }) : () -> ()
    %scan3A = arith.constant 0 : i32
    %scan3A_4 = arith.constant 0 : i32
    %scan3A_5 = arith.constant 16 : i32
    %scan3A_6 = arith.addi %scan3A_4, %scan3A_5 : i32
    %scan3A_7 = arith.constant 1 : i32
    scf.for %scan3A_9 = %scan3A_4 to %scan3A_6 step %scan3A_7  : i32 {
      %mul3A_10 = arith.constant 16 : i32
      %mul3A_11 = arith.muli %add3A, %mul3A_10 : i32
      %add3A_12 = arith.addi %mul3A_11, %scan3A_9 : i32
      %swap3A = arith.constant 0 : index
      %swap3A_13 = tpu.vector_load %arg8[%swap3A] {strides = array<i32>} : memref<16xf32, #tpu.memory_space<vmem>>, vector<16xf32>,
      %swap3A_14 = vector.shape_cast %swap3A_13 : vector<16xf32> to vector<16xf32>
      %swap3A_15 = vector.shape_cast %broadcast_in_dim3A_1 : vector<16xf32> to vector<16xf32>
      tpu.vector_store %arg8[%swap3A], %swap3A_15 {strides = array<i32>} : memref<16xf32, #tpu.memory_space<vmem>>, vector<16xf32>,
      %broadcast_in_dim3A_16 = arith.constant 0 : i32
      %broadcast_in_dim3A_17 = vector.broadcast %broadcast_in_dim3A_16 : i32 to vector<16xi32>
      %swap3A_18 = arith.constant 0 : index
      %swap3A_19 = tpu.vector_load %arg9[%swap3A_18] {strides = array<i32>} : memref<16xi32, #tpu.memory_space<vmem>>, vector<16xi32>,
      %swap3A_20 = vector.shape_cast %swap3A_19 : vector<16xi32> to vector<16xi32>
      %swap3A_21 = vector.shape_cast %broadcast_in_dim3A_17 : vector<16xi32> to vector<16xi32>
      tpu.vector_store %arg9[%swap3A_18], %swap3A_21 {strides = array<i32>} : memref<16xi32, #tpu.memory_space<vmem>>, vector<16xi32>,
      %swap3A_22 = arith.constant 0xFF800000 : f32
      %swap3A_23 = arith.constant 0 : i32
      %swap3A_24 = arith.index_cast %swap3A_23 : i32 to index
      %swap3A_25 = memref.load %arg16[%swap3A_24] : memref<1xf32, #tpu.memory_space<smem>>
      memref.store %swap3A_22, %arg16[%swap3A_24] : memref<1xf32, #tpu.memory_space<smem>>
      %broadcast_in_dim3A_26 = arith.constant 0.000000e+00 : f32
      %broadcast_in_dim3A_27 = vector.broadcast %broadcast_in_dim3A_26 : f32 to vector<16xf32>
      %scan3A_28 = arith.constant 0 : i32
      %scan3A_29 = arith.constant 5 : i32
      %scan3A_30 = arith.addi %scan3A_28, %scan3A_29 : i32
      %scan3A_31 = arith.constant 1 : i32
      %scan3A_32 = scf.for %scan3A_999 = %scan3A_28 to %scan3A_30 step %scan3A_31 iter_args(%scan3A_1000 = %broadcast_in_dim3A_27) -> (vector<16xf32>)  : i32 {
        %mul3A_1001 = arith.constant 100000 : i32
        %mul3A_1002 = arith.muli %add3A_12, %mul3A_1001 : i32
        %mul3A_1003 = arith.constant 20000 : i32
        %mul3A_1004 = arith.muli %scan3A_999, %mul3A_1003 : i32
        %add3A_1005 = arith.addi %mul3A_1002, %mul3A_1004 : i32
        %multiple_of3A_1006 = tpu.assume_multiple %add3A_1005, 8 : i32
        "tpu.region"() ({
          %run_scoped3A = tpu.sem_alloc : memref<!tpu.dma_semaphore, #tpu.memory_space<semaphore_mem>>
          %dma_start3A_1013 = tpu.memref_slice %arg2[%multiple_of3A_1006] : memref<51200000xf32, #tpu.memory_space<hbm>> -> memref<20000xf32, #tpu.memory_space<hbm>>
          %dma_start3A_1014 = tpu.memref_slice %arg2[%multiple_of3A_1006] : memref<51200000xf32, #tpu.memory_space<hbm>> -> memref<20000xf32, #tpu.memory_space<hbm>>
          tpu.enqueue_dma source(%dma_start3A_1014 : memref<20000xf32, #tpu.memory_space<hbm>>) target(%arg7 : memref<20000xf32, #tpu.memory_space<vmem>>) target_semaphore(%run_scoped3A : memref<!tpu.dma_semaphore, #tpu.memory_space<semaphore_mem>>)
          %dma_wait3A_1015 = tpu.memref_slice %arg2[%multiple_of3A_1006] : memref<51200000xf32, #tpu.memory_space<hbm>> -> memref<20000xf32, #tpu.memory_space<hbm>>
          %dma_wait3A_1016 = tpu.memref_slice %arg2[%multiple_of3A_1006] : memref<51200000xf32, #tpu.memory_space<hbm>> -> memref<20000xf32, #tpu.memory_space<hbm>>
          tpu.wait_dma2 semaphore(%run_scoped3A : memref<!tpu.dma_semaphore, #tpu.memory_space<semaphore_mem>>) src(%dma_wait3A_1016 : memref<20000xf32, #tpu.memory_space<hbm>>) dst(%arg7 : memref<20000xf32, #tpu.memory_space<vmem>>)
          tpu.yield
        }) : () -> ()
        %scan3A_1007 = arith.constant 0 : i32
        %scan3A_1008 = arith.constant 1250 : i32
        %scan3A_1009 = arith.addi %scan3A_1007, %scan3A_1008 : i32
        %scan3A_1010 = arith.constant 1 : i32
        %scan3A_1011 = scf.for %scan3A_1013 = %scan3A_1007 to %scan3A_1009 step %scan3A_1010 iter_args(%scan3A_1014 = %scan3A_1000) -> (vector<16xf32>)  : i32 {
          %mul3A_1015 = arith.constant 16 : i32
          %mul3A_1016 = arith.muli %scan3A_1013, %mul3A_1015 : i32
          %get3A_1017 = arith.index_cast %mul3A_1016 : i32 to index
          %get3A_1018 = tpu.vector_load %arg7[%get3A_1017] {strides = array<i32>} : memref<20000xf32, #tpu.memory_space<vmem>>, vector<16xf32>,
          %get3A_1019 = vector.shape_cast %get3A_1018 : vector<16xf32> to vector<16xf32>
          %bitcast_convert_type3A = tpu.bitcast %get3A_1019 : vector<16xf32> -> vector<16xi32>
          %shift_right_arithmetic3A_1020 = arith.constant 23 : i32
          %shift_right_arithmetic3A_1021 = vector.broadcast %shift_right_arithmetic3A_1020 : i32 to vector<16xi32>
          %shift_right_arithmetic3A_1022 = arith.shrsi %bitcast_convert_type3A, %shift_right_arithmetic3A_1021 : vector<16xi32>
          %sub3A_1023 = arith.constant 127 : i32
          %sub3A_1024 = vector.broadcast %sub3A_1023 : i32 to vector<16xi32>
          %sub3A_1025 = arith.subi %shift_right_arithmetic3A_1022, %sub3A_1024 : vector<16xi32>
          %and3A_1026 = arith.constant 8388607 : i32
          %and3A_1027 = vector.broadcast %and3A_1026 : i32 to vector<16xi32>
          %and3A_1028 = arith.andi %bitcast_convert_type3A, %and3A_1027 : vector<16xi32>
          %or3A = arith.constant 1065353216 : i32
          %or3A_1029 = vector.broadcast %or3A : i32 to vector<16xi32>
          %or3A_1030 = arith.ori %and3A_1028, %or3A_1029 : vector<16xi32>
          %bitcast_convert_type3A_1031 = tpu.bitcast %or3A_1030 : vector<16xi32> -> vector<16xf32>
          %sub3A_1032 = arith.constant 1.000000e+00 : f32
          %sub3A_1033 = vector.broadcast %sub3A_1032 : f32 to vector<16xf32>
          %sub3A_1034 = arith.subf %bitcast_convert_type3A_1031, %sub3A_1033 : vector<16xf32>
          %mul3A_1035 = arith.constant 4.392910e-02 : f32
          %mul3A_1036 = vector.broadcast %mul3A_1035 : f32 to vector<16xf32>
          %mul3A_1037 = arith.mulf %mul3A_1036, %sub3A_1034 : vector<16xf32>
          %add3A_1038 = arith.constant -0.189834431 : f32
          %add3A_1039 = vector.broadcast %add3A_1038 : f32 to vector<16xf32>
          %add3A_1040 = arith.addf %mul3A_1037, %add3A_1039 : vector<16xf32>
          %mul3A_1041 = arith.mulf %add3A_1040, %sub3A_1034 : vector<16xf32>
          %add3A_1042 = arith.constant 0.411564142 : f32
          %add3A_1043 = vector.broadcast %add3A_1042 : f32 to vector<16xf32>
          %add3A_1044 = arith.addf %mul3A_1041, %add3A_1043 : vector<16xf32>
          %mul3A_1045 = arith.mulf %add3A_1044, %sub3A_1034 : vector<16xf32>
          %add3A_1046 = arith.constant -0.707254886 : f32
          %add3A_1047 = vector.broadcast %add3A_1046 : f32 to vector<16xf32>
          %add3A_1048 = arith.addf %mul3A_1045, %add3A_1047 : vector<16xf32>
          %mul3A_1049 = arith.mulf %add3A_1048, %sub3A_1034 : vector<16xf32>
          %add3A_1050 = arith.constant 1.44159234 : f32
          %add3A_1051 = vector.broadcast %add3A_1050 : f32 to vector<16xf32>
          %add3A_1052 = arith.addf %mul3A_1049, %add3A_1051 : vector<16xf32>
          %mul3A_1053 = arith.mulf %add3A_1052, %sub3A_1034 : vector<16xf32>
          %add3A_1054 = arith.constant 1.43725038E-5 : f32
          %add3A_1055 = vector.broadcast %add3A_1054 : f32 to vector<16xf32>
          %add3A_1056 = arith.addf %mul3A_1053, %add3A_1055 : vector<16xf32>
          %convert_element_type3A_1057 = arith.sitofp %sub3A_1025 : vector<16xi32> to vector<16xf32>
          %add3A_1058 = arith.addf %convert_element_type3A_1057, %add3A_1056 : vector<16xf32>
          %mul3A_1059 = arith.mulf %get3A_1019, %add3A_1058 : vector<16xf32>
          %add3A_1060 = arith.addf %scan3A_1014, %mul3A_1059 : vector<16xf32>
          %xor3A_1061 = arith.constant 8 : i32
          %xor3A_1062 = vector.broadcast %xor3A_1061 : i32 to vector<16xi32>
          %xor3A_1063 = arith.xori %iota3A, %xor3A_1062 : vector<16xi32>
          %lt3A_1064 = arith.constant 0 : i32
          %lt3A_1065 = vector.broadcast %lt3A_1064 : i32 to vector<16xi32>
          %lt3A_1066 = arith.cmpi slt, %xor3A_1063, %lt3A_1065 : vector<16xi32>
          %add3A_1067 = arith.constant 16 : i32
          %add3A_1068 = vector.broadcast %add3A_1067 : i32 to vector<16xi32>
          %add3A_1069 = arith.addi %xor3A_1063, %add3A_1068 : vector<16xi32>
          %select_n3A_1070 = arith.select %lt3A_1066, %add3A_1069, %xor3A_1063 : vector<16xi1>, vector<16xi32>
          %broadcast_in_dim3A_1071 = vector.shape_cast %select_n3A_1070 : vector<16xi32> to vector<16x1xi32>
          %gather3A_1072 = vector.shape_cast %broadcast_in_dim3A_1071 : vector<16x1xi32> to vector<16xi32>
          %gather3A_1073 = tpu.dynamic_gather %get3A_1019[%gather3A_1072] in [0] : vector<16xf32>, vector<16xi32> -> vector<16xf32>
          %max3A = arith.maximumf %get3A_1019, %gather3A_1073 : vector<16xf32>
          %xor3A_1074 = arith.constant 4 : i32
          %xor3A_1075 = vector.broadcast %xor3A_1074 : i32 to vector<16xi32>
          %xor3A_1076 = arith.xori %iota3A, %xor3A_1075 : vector<16xi32>
          %lt3A_1077 = arith.constant 0 : i32
          %lt3A_1078 = vector.broadcast %lt3A_1077 : i32 to vector<16xi32>
          %lt3A_1079 = arith.cmpi slt, %xor3A_1076, %lt3A_1078 : vector<16xi32>
          %add3A_1080 = arith.constant 16 : i32
          %add3A_1081 = vector.broadcast %add3A_1080 : i32 to vector<16xi32>
          %add3A_1082 = arith.addi %xor3A_1076, %add3A_1081 : vector<16xi32>
          %select_n3A_1083 = arith.select %lt3A_1079, %add3A_1082, %xor3A_1076 : vector<16xi1>, vector<16xi32>
          %broadcast_in_dim3A_1084 = vector.shape_cast %select_n3A_1083 : vector<16xi32> to vector<16x1xi32>
          %gather3A_1085 = vector.shape_cast %broadcast_in_dim3A_1084 : vector<16x1xi32> to vector<16xi32>
          %gather3A_1086 = tpu.dynamic_gather %max3A[%gather3A_1085] in [0] : vector<16xf32>, vector<16xi32> -> vector<16xf32>
          %max3A_1087 = arith.maximumf %max3A, %gather3A_1086 : vector<16xf32>
          %xor3A_1088 = arith.constant 2 : i32
          %xor3A_1089 = vector.broadcast %xor3A_1088 : i32 to vector<16xi32>
          %xor3A_1090 = arith.xori %iota3A, %xor3A_1089 : vector<16xi32>
          %lt3A_1091 = arith.constant 0 : i32
          %lt3A_1092 = vector.broadcast %lt3A_1091 : i32 to vector<16xi32>
          %lt3A_1093 = arith.cmpi slt, %xor3A_1090, %lt3A_1092 : vector<16xi32>
          %add3A_1094 = arith.constant 16 : i32
          %add3A_1095 = vector.broadcast %add3A_1094 : i32 to vector<16xi32>
          %add3A_1096 = arith.addi %xor3A_1090, %add3A_1095 : vector<16xi32>
          %select_n3A_1097 = arith.select %lt3A_1093, %add3A_1096, %xor3A_1090 : vector<16xi1>, vector<16xi32>
          %broadcast_in_dim3A_1098 = vector.shape_cast %select_n3A_1097 : vector<16xi32> to vector<16x1xi32>
          %gather3A_1099 = vector.shape_cast %broadcast_in_dim3A_1098 : vector<16x1xi32> to vector<16xi32>
          %gather3A_1100 = tpu.dynamic_gather %max3A_1087[%gather3A_1099] in [0] : vector<16xf32>, vector<16xi32> -> vector<16xf32>
          %max3A_1101 = arith.maximumf %max3A_1087, %gather3A_1100 : vector<16xf32>
          %xor3A_1102 = arith.constant 1 : i32
          %xor3A_1103 = vector.broadcast %xor3A_1102 : i32 to vector<16xi32>
          %xor3A_1104 = arith.xori %iota3A, %xor3A_1103 : vector<16xi32>
          %lt3A_1105 = arith.constant 0 : i32
          %lt3A_1106 = vector.broadcast %lt3A_1105 : i32 to vector<16xi32>
          %lt3A_1107 = arith.cmpi slt, %xor3A_1104, %lt3A_1106 : vector<16xi32>
          %add3A_1108 = arith.constant 16 : i32
          %add3A_1109 = vector.broadcast %add3A_1108 : i32 to vector<16xi32>
          %add3A_1110 = arith.addi %xor3A_1104, %add3A_1109 : vector<16xi32>
          %select_n3A_1111 = arith.select %lt3A_1107, %add3A_1110, %xor3A_1104 : vector<16xi1>, vector<16xi32>
          %broadcast_in_dim3A_1112 = vector.shape_cast %select_n3A_1111 : vector<16xi32> to vector<16x1xi32>
          %gather3A_1113 = vector.shape_cast %broadcast_in_dim3A_1112 : vector<16x1xi32> to vector<16xi32>
          %gather3A_1114 = tpu.dynamic_gather %max3A_1101[%gather3A_1113] in [0] : vector<16xf32>, vector<16xi32> -> vector<16xf32>
          %max3A_1115 = arith.maximumf %max3A_1101, %gather3A_1114 : vector<16xf32>
          %slice3A_1116 = vector.extract_strided_slice %max3A_1115 {offsets = [0], sizes = [1], strides = [1]} : vector<16xf32> to vector<1xf32>
          %squeeze3A_1117 = vector.extract %slice3A_1116[0] : f32 from vector<1xf32>
          %get3A_1118 = arith.constant 0 : i32
          %get3A_1119 = arith.index_cast %get3A_1118 : i32 to index
          %get3A_1120 = memref.load %arg16[%get3A_1119] : memref<1xf32, #tpu.memory_space<smem>>
          %gt3A = arith.cmpf ogt, %squeeze3A_1117, %get3A_1120 : f32
          %convert_element_type3A_1121 = arith.extui %gt3A : i1 to i32
          %cond3A = arith.constant 0 : i32
          %cond3A_1122 = arith.cmpi ne, %convert_element_type3A_1121, %cond3A : i32
          scf.if %cond3A_1122 {
            %mul3A_1123 = arith.constant 20000 : i32
            %mul3A_1124 = arith.muli %scan3A_999, %mul3A_1123 : i32
            %mul3A_1125 = arith.constant 16 : i32
            %mul3A_1126 = arith.muli %scan3A_1013, %mul3A_1125 : i32
            %add3A_1127 = arith.addi %mul3A_1124, %mul3A_1126 : i32
            %add3A_1128 = vector.broadcast %add3A_1127 : i32 to vector<16xi32>
            %add3A_1129 = arith.addi %add3A_1128, %iota3A : vector<16xi32>
            %shift_right_arithmetic3A_1130 = arith.constant 1 : i32
            %shift_right_arithmetic3A_1131 = vector.broadcast %shift_right_arithmetic3A_1130 : i32 to vector<16xi32>
            %shift_right_arithmetic3A_1132 = arith.shrsi %iota3A, %shift_right_arithmetic3A_1131 : vector<16xi32>
            %shift_right_arithmetic3A_1133 = arith.constant 0 : i32
            %shift_right_arithmetic3A_1134 = vector.broadcast %shift_right_arithmetic3A_1133 : i32 to vector<16xi32>
            %shift_right_arithmetic3A_1135 = arith.shrsi %iota3A, %shift_right_arithmetic3A_1134 : vector<16xi32>
            %xor3A_1136 = arith.xori %shift_right_arithmetic3A_1132, %shift_right_arithmetic3A_1135 : vector<16xi32>
            %and3A_1137 = arith.constant 1 : i32
            %and3A_1138 = vector.broadcast %and3A_1137 : i32 to vector<16xi32>
            %and3A_1139 = arith.andi %xor3A_1136, %and3A_1138 : vector<16xi32>
            %eq3A_1140 = arith.constant 0 : i32
            %eq3A_1141 = vector.broadcast %eq3A_1140 : i32 to vector<16xi32>
            %eq3A_1142 = arith.cmpi eq, %and3A_1139, %eq3A_1141 : vector<16xi32>
            %xor3A_1143 = arith.constant 1 : i32
            %xor3A_1144 = vector.broadcast %xor3A_1143 : i32 to vector<16xi32>
            %xor3A_1145 = arith.xori %iota3A, %xor3A_1144 : vector<16xi32>
            %lt3A_1146 = arith.constant 0 : i32
            %lt3A_1147 = vector.broadcast %lt3A_1146 : i32 to vector<16xi32>
            %lt3A_1148 = arith.cmpi slt, %xor3A_1145, %lt3A_1147 : vector<16xi32>
            %add3A_1149 = arith.constant 16 : i32
            %add3A_1150 = vector.broadcast %add3A_1149 : i32 to vector<16xi32>
            %add3A_1151 = arith.addi %xor3A_1145, %add3A_1150 : vector<16xi32>
            %select_n3A_1152 = arith.select %lt3A_1148, %add3A_1151, %xor3A_1145 : vector<16xi1>, vector<16xi32>
            %broadcast_in_dim3A_1153 = vector.shape_cast %select_n3A_1152 : vector<16xi32> to vector<16x1xi32>
            %gather3A_1154 = vector.shape_cast %broadcast_in_dim3A_1153 : vector<16x1xi32> to vector<16xi32>
            %gather3A_1155 = tpu.dynamic_gather %get3A_1019[%gather3A_1154] in [0] : vector<16xf32>, vector<16xi32> -> vector<16xf32>
            %xor3A_1156 = arith.constant 1 : i32
            %xor3A_1157 = vector.broadcast %xor3A_1156 : i32 to vector<16xi32>
            %xor3A_1158 = arith.xori %iota3A, %xor3A_1157 : vector<16xi32>
            %lt3A_1159 = arith.constant 0 : i32
            %lt3A_1160 = vector.broadcast %lt3A_1159 : i32 to vector<16xi32>
            %lt3A_1161 = arith.cmpi slt, %xor3A_1158, %lt3A_1160 : vector<16xi32>
            %add3A_1162 = arith.constant 16 : i32
            %add3A_1163 = vector.broadcast %add3A_1162 : i32 to vector<16xi32>
            %add3A_1164 = arith.addi %xor3A_1158, %add3A_1163 : vector<16xi32>
            %select_n3A_1165 = arith.select %lt3A_1161, %add3A_1164, %xor3A_1158 : vector<16xi1>, vector<16xi32>
            %broadcast_in_dim3A_1166 = vector.shape_cast %select_n3A_1165 : vector<16xi32> to vector<16x1xi32>
            %gather3A_1167 = vector.shape_cast %broadcast_in_dim3A_1166 : vector<16x1xi32> to vector<16xi32>
            %gather3A_1168 = tpu.dynamic_gather %add3A_1129[%gather3A_1167] in [0] : vector<16xi32>, vector<16xi32> -> vector<16xi32>
            %min3A_1169 = arith.minimumf %get3A_1019, %gather3A_1155 : vector<16xf32>
            %max3A_1170 = arith.maximumf %get3A_1019, %gather3A_1155 : vector<16xf32>
            %select_n3A_1171 = arith.select %eq3A_1142, %min3A_1169, %max3A_1170 : vector<16xi1>, vector<16xf32>
            %le3A = arith.cmpf ole, %get3A_1019, %gather3A_1155 : vector<16xf32>
            %select_n3A_1172 = arith.select %le3A, %add3A_1129, %gather3A_1168 : vector<16xi1>, vector<16xi32>
            %ge3A = arith.cmpf oge, %get3A_1019, %gather3A_1155 : vector<16xf32>
            %select_n3A_1173 = arith.select %ge3A, %add3A_1129, %gather3A_1168 : vector<16xi1>, vector<16xi32>
            %select_n3A_1174 = arith.select %eq3A_1142, %select_n3A_1172, %select_n3A_1173 : vector<16xi1>, vector<16xi32>
            %shift_right_arithmetic3A_1175 = arith.constant 2 : i32
            %shift_right_arithmetic3A_1176 = vector.broadcast %shift_right_arithmetic3A_1175 : i32 to vector<16xi32>
            %shift_right_arithmetic3A_1177 = arith.shrsi %iota3A, %shift_right_arithmetic3A_1176 : vector<16xi32>
            %shift_right_arithmetic3A_1178 = arith.constant 1 : i32
            %shift_right_arithmetic3A_1179 = vector.broadcast %shift_right_arithmetic3A_1178 : i32 to vector<16xi32>
            %shift_right_arithmetic3A_1180 = arith.shrsi %iota3A, %shift_right_arithmetic3A_1179 : vector<16xi32>
            %xor3A_1181 = arith.xori %shift_right_arithmetic3A_1177, %shift_right_arithmetic3A_1180 : vector<16xi32>
            %and3A_1182 = arith.constant 1 : i32
            %and3A_1183 = vector.broadcast %and3A_1182 : i32 to vector<16xi32>
            %and3A_1184 = arith.andi %xor3A_1181, %and3A_1183 : vector<16xi32>
            %eq3A_1185 = arith.constant 0 : i32
            %eq3A_1186 = vector.broadcast %eq3A_1185 : i32 to vector<16xi32>
            %eq3A_1187 = arith.cmpi eq, %and3A_1184, %eq3A_1186 : vector<16xi32>
            %xor3A_1188 = arith.constant 2 : i32
            %xor3A_1189 = vector.broadcast %xor3A_1188 : i32 to vector<16xi32>
            %xor3A_1190 = arith.xori %iota3A, %xor3A_1189 : vector<16xi32>
            %lt3A_1191 = arith.constant 0 : i32
            %lt3A_1192 = vector.broadcast %lt3A_1191 : i32 to vector<16xi32>
            %lt3A_1193 = arith.cmpi slt, %xor3A_1190, %lt3A_1192 : vector<16xi32>
            %add3A_1194 = arith.constant 16 : i32
            %add3A_1195 = vector.broadcast %add3A_1194 : i32 to vector<16xi32>
            %add3A_1196 = arith.addi %xor3A_1190, %add3A_1195 : vector<16xi32>
            %select_n3A_1197 = arith.select %lt3A_1193, %add3A_1196, %xor3A_1190 : vector<16xi1>, vector<16xi32>
            %broadcast_in_dim3A_1198 = vector.shape_cast %select_n3A_1197 : vector<16xi32> to vector<16x1xi32>
            %gather3A_1199 = vector.shape_cast %broadcast_in_dim3A_1198 : vector<16x1xi32> to vector<16xi32>
            %gather3A_1200 = tpu.dynamic_gather %select_n3A_1171[%gather3A_1199] in [0] : vector<16xf32>, vector<16xi32> -> vector<16xf32>
            %xor3A_1201 = arith.constant 2 : i32
            %xor3A_1202 = vector.broadcast %xor3A_1201 : i32 to vector<16xi32>
            %xor3A_1203 = arith.xori %iota3A, %xor3A_1202 : vector<16xi32>
            %lt3A_1204 = arith.constant 0 : i32
            %lt3A_1205 = vector.broadcast %lt3A_1204 : i32 to vector<16xi32>
            %lt3A_1206 = arith.cmpi slt, %xor3A_1203, %lt3A_1205 : vector<16xi32>
            %add3A_1207 = arith.constant 16 : i32
            %add3A_1208 = vector.broadcast %add3A_1207 : i32 to vector<16xi32>
            %add3A_1209 = arith.addi %xor3A_1203, %add3A_1208 : vector<16xi32>
            %select_n3A_1210 = arith.select %lt3A_1206, %add3A_1209, %xor3A_1203 : vector<16xi1>, vector<16xi32>
            %broadcast_in_dim3A_1211 = vector.shape_cast %select_n3A_1210 : vector<16xi32> to vector<16x1xi32>
            %gather3A_1212 = vector.shape_cast %broadcast_in_dim3A_1211 : vector<16x1xi32> to vector<16xi32>
            %gather3A_1213 = tpu.dynamic_gather %select_n3A_1174[%gather3A_1212] in [0] : vector<16xi32>, vector<16xi32> -> vector<16xi32>
            %min3A_1214 = arith.minimumf %select_n3A_1171, %gather3A_1200 : vector<16xf32>
            %max3A_1215 = arith.maximumf %select_n3A_1171, %gather3A_1200 : vector<16xf32>
            %select_n3A_1216 = arith.select %eq3A_1187, %min3A_1214, %max3A_1215 : vector<16xi1>, vector<16xf32>
            %le3A_1217 = arith.cmpf ole, %select_n3A_1171, %gather3A_1200 : vector<16xf32>
            %select_n3A_1218 = arith.select %le3A_1217, %select_n3A_1174, %gather3A_1213 : vector<16xi1>, vector<16xi32>
            %ge3A_1219 = arith.cmpf oge, %select_n3A_1171, %gather3A_1200 : vector<16xf32>
            %select_n3A_1220 = arith.select %ge3A_1219, %select_n3A_1174, %gather3A_1213 : vector<16xi1>, vector<16xi32>
            %select_n3A_1221 = arith.select %eq3A_1187, %select_n3A_1218, %select_n3A_1220 : vector<16xi1>, vector<16xi32>
            %shift_right_arithmetic3A_1222 = arith.constant 2 : i32
            %shift_right_arithmetic3A_1223 = vector.broadcast %shift_right_arithmetic3A_1222 : i32 to vector<16xi32>
            %shift_right_arithmetic3A_1224 = arith.shrsi %iota3A, %shift_right_arithmetic3A_1223 : vector<16xi32>
            %shift_right_arithmetic3A_1225 = arith.constant 0 : i32
            %shift_right_arithmetic3A_1226 = vector.broadcast %shift_right_arithmetic3A_1225 : i32 to vector<16xi32>
            %shift_right_arithmetic3A_1227 = arith.shrsi %iota3A, %shift_right_arithmetic3A_1226 : vector<16xi32>
            %xor3A_1228 = arith.xori %shift_right_arithmetic3A_1224, %shift_right_arithmetic3A_1227 : vector<16xi32>
            %and3A_1229 = arith.constant 1 : i32
            %and3A_1230 = vector.broadcast %and3A_1229 : i32 to vector<16xi32>
            %and3A_1231 = arith.andi %xor3A_1228, %and3A_1230 : vector<16xi32>
            %eq3A_1232 = arith.constant 0 : i32
            %eq3A_1233 = vector.broadcast %eq3A_1232 : i32 to vector<16xi32>
            %eq3A_1234 = arith.cmpi eq, %and3A_1231, %eq3A_1233 : vector<16xi32>
            %xor3A_1235 = arith.constant 1 : i32
            %xor3A_1236 = vector.broadcast %xor3A_1235 : i32 to vector<16xi32>
            %xor3A_1237 = arith.xori %iota3A, %xor3A_1236 : vector<16xi32>
            %lt3A_1238 = arith.constant 0 : i32
            %lt3A_1239 = vector.broadcast %lt3A_1238 : i32 to vector<16xi32>
            %lt3A_1240 = arith.cmpi slt, %xor3A_1237, %lt3A_1239 : vector<16xi32>
            %add3A_1241 = arith.constant 16 : i32
            %add3A_1242 = vector.broadcast %add3A_1241 : i32 to vector<16xi32>
            %add3A_1243 = arith.addi %xor3A_1237, %add3A_1242 : vector<16xi32>
            %select_n3A_1244 = arith.select %lt3A_1240, %add3A_1243, %xor3A_1237 : vector<16xi1>, vector<16xi32>
            %broadcast_in_dim3A_1245 = vector.shape_cast %select_n3A_1244 : vector<16xi32> to vector<16x1xi32>
            %gather3A_1246 = vector.shape_cast %broadcast_in_dim3A_1245 : vector<16x1xi32> to vector<16xi32>
            %gather3A_1247 = tpu.dynamic_gather %select_n3A_1216[%gather3A_1246] in [0] : vector<16xf32>, vector<16xi32> -> vector<16xf32>
            %xor3A_1248 = arith.constant 1 : i32
            %xor3A_1249 = vector.broadcast %xor3A_1248 : i32 to vector<16xi32>
            %xor3A_1250 = arith.xori %iota3A, %xor3A_1249 : vector<16xi32>
            %lt3A_1251 = arith.constant 0 : i32
            %lt3A_1252 = vector.broadcast %lt3A_1251 : i32 to vector<16xi32>
            %lt3A_1253 = arith.cmpi slt, %xor3A_1250, %lt3A_1252 : vector<16xi32>
            %add3A_1254 = arith.constant 16 : i32
            %add3A_1255 = vector.broadcast %add3A_1254 : i32 to vector<16xi32>
            %add3A_1256 = arith.addi %xor3A_1250, %add3A_1255 : vector<16xi32>
            %select_n3A_1257 = arith.select %lt3A_1253, %add3A_1256, %xor3A_1250 : vector<16xi1>, vector<16xi32>
            %broadcast_in_dim3A_1258 = vector.shape_cast %select_n3A_1257 : vector<16xi32> to vector<16x1xi32>
            %gather3A_1259 = vector.shape_cast %broadcast_in_dim3A_1258 : vector<16x1xi32> to vector<16xi32>
            %gather3A_1260 = tpu.dynamic_gather %select_n3A_1221[%gather3A_1259] in [0] : vector<16xi32>, vector<16xi32> -> vector<16xi32>
            %min3A_1261 = arith.minimumf %select_n3A_1216, %gather3A_1247 : vector<16xf32>
            %max3A_1262 = arith.maximumf %select_n3A_1216, %gather3A_1247 : vector<16xf32>
            %select_n3A_1263 = arith.select %eq3A_1234, %min3A_1261, %max3A_1262 : vector<16xi1>, vector<16xf32>
            %le3A_1264 = arith.cmpf ole, %select_n3A_1216, %gather3A_1247 : vector<16xf32>
            %select_n3A_1265 = arith.select %le3A_1264, %select_n3A_1221, %gather3A_1260 : vector<16xi1>, vector<16xi32>
            %ge3A_1266 = arith.cmpf oge, %select_n3A_1216, %gather3A_1247 : vector<16xf32>
            %select_n3A_1267 = arith.select %ge3A_1266, %select_n3A_1221, %gather3A_1260 : vector<16xi1>, vector<16xi32>
            %select_n3A_1268 = arith.select %eq3A_1234, %select_n3A_1265, %select_n3A_1267 : vector<16xi1>, vector<16xi32>
            %shift_right_arithmetic3A_1269 = arith.constant 3 : i32
            %shift_right_arithmetic3A_1270 = vector.broadcast %shift_right_arithmetic3A_1269 : i32 to vector<16xi32>
            %shift_right_arithmetic3A_1271 = arith.shrsi %iota3A, %shift_right_arithmetic3A_1270 : vector<16xi32>
            %shift_right_arithmetic3A_1272 = arith.constant 2 : i32
            %shift_right_arithmetic3A_1273 = vector.broadcast %shift_right_arithmetic3A_1272 : i32 to vector<16xi32>
            %shift_right_arithmetic3A_1274 = arith.shrsi %iota3A, %shift_right_arithmetic3A_1273 : vector<16xi32>
            %xor3A_1275 = arith.xori %shift_right_arithmetic3A_1271, %shift_right_arithmetic3A_1274 : vector<16xi32>
            %and3A_1276 = arith.constant 1 : i32
            %and3A_1277 = vector.broadcast %and3A_1276 : i32 to vector<16xi32>
            %and3A_1278 = arith.andi %xor3A_1275, %and3A_1277 : vector<16xi32>
            %eq3A_1279 = arith.constant 0 : i32
            %eq3A_1280 = vector.broadcast %eq3A_1279 : i32 to vector<16xi32>
            %eq3A_1281 = arith.cmpi eq, %and3A_1278, %eq3A_1280 : vector<16xi32>
            %xor3A_1282 = arith.constant 4 : i32
            %xor3A_1283 = vector.broadcast %xor3A_1282 : i32 to vector<16xi32>
            %xor3A_1284 = arith.xori %iota3A, %xor3A_1283 : vector<16xi32>
            %lt3A_1285 = arith.constant 0 : i32
            %lt3A_1286 = vector.broadcast %lt3A_1285 : i32 to vector<16xi32>
            %lt3A_1287 = arith.cmpi slt, %xor3A_1284, %lt3A_1286 : vector<16xi32>
            %add3A_1288 = arith.constant 16 : i32
            %add3A_1289 = vector.broadcast %add3A_1288 : i32 to vector<16xi32>
            %add3A_1290 = arith.addi %xor3A_1284, %add3A_1289 : vector<16xi32>
            %select_n3A_1291 = arith.select %lt3A_1287, %add3A_1290, %xor3A_1284 : vector<16xi1>, vector<16xi32>
            %broadcast_in_dim3A_1292 = vector.shape_cast %select_n3A_1291 : vector<16xi32> to vector<16x1xi32>
            %gather3A_1293 = vector.shape_cast %broadcast_in_dim3A_1292 : vector<16x1xi32> to vector<16xi32>
            %gather3A_1294 = tpu.dynamic_gather %select_n3A_1263[%gather3A_1293] in [0] : vector<16xf32>, vector<16xi32> -> vector<16xf32>
            %xor3A_1295 = arith.constant 4 : i32
            %xor3A_1296 = vector.broadcast %xor3A_1295 : i32 to vector<16xi32>
            %xor3A_1297 = arith.xori %iota3A, %xor3A_1296 : vector<16xi32>
            %lt3A_1298 = arith.constant 0 : i32
            %lt3A_1299 = vector.broadcast %lt3A_1298 : i32 to vector<16xi32>
            %lt3A_1300 = arith.cmpi slt, %xor3A_1297, %lt3A_1299 : vector<16xi32>
            %add3A_1301 = arith.constant 16 : i32
            %add3A_1302 = vector.broadcast %add3A_1301 : i32 to vector<16xi32>
            %add3A_1303 = arith.addi %xor3A_1297, %add3A_1302 : vector<16xi32>
            %select_n3A_1304 = arith.select %lt3A_1300, %add3A_1303, %xor3A_1297 : vector<16xi1>, vector<16xi32>
            %broadcast_in_dim3A_1305 = vector.shape_cast %select_n3A_1304 : vector<16xi32> to vector<16x1xi32>
            %gather3A_1306 = vector.shape_cast %broadcast_in_dim3A_1305 : vector<16x1xi32> to vector<16xi32>
            %gather3A_1307 = tpu.dynamic_gather %select_n3A_1268[%gather3A_1306] in [0] : vector<16xi32>, vector<16xi32> -> vector<16xi32>
            %min3A_1308 = arith.minimumf %select_n3A_1263, %gather3A_1294 : vector<16xf32>
            %max3A_1309 = arith.maximumf %select_n3A_1263, %gather3A_1294 : vector<16xf32>
            %select_n3A_1310 = arith.select %eq3A_1281, %min3A_1308, %max3A_1309 : vector<16xi1>, vector<16xf32>
            %le3A_1311 = arith.cmpf ole, %select_n3A_1263, %gather3A_1294 : vector<16xf32>
            %select_n3A_1312 = arith.select %le3A_1311, %select_n3A_1268, %gather3A_1307 : vector<16xi1>, vector<16xi32>
            %ge3A_1313 = arith.cmpf oge, %select_n3A_1263, %gather3A_1294 : vector<16xf32>
            %select_n3A_1314 = arith.select %ge3A_1313, %select_n3A_1268, %gather3A_1307 : vector<16xi1>, vector<16xi32>
            %select_n3A_1315 = arith.select %eq3A_1281, %select_n3A_1312, %select_n3A_1314 : vector<16xi1>, vector<16xi32>
            %shift_right_arithmetic3A_1316 = arith.constant 3 : i32
            %shift_right_arithmetic3A_1317 = vector.broadcast %shift_right_arithmetic3A_1316 : i32 to vector<16xi32>
            %shift_right_arithmetic3A_1318 = arith.shrsi %iota3A, %shift_right_arithmetic3A_1317 : vector<16xi32>
            %shift_right_arithmetic3A_1319 = arith.constant 1 : i32
            %shift_right_arithmetic3A_1320 = vector.broadcast %shift_right_arithmetic3A_1319 : i32 to vector<16xi32>
            %shift_right_arithmetic3A_1321 = arith.shrsi %iota3A, %shift_right_arithmetic3A_1320 : vector<16xi32>
            %xor3A_1322 = arith.xori %shift_right_arithmetic3A_1318, %shift_right_arithmetic3A_1321 : vector<16xi32>
            %and3A_1323 = arith.constant 1 : i32
            %and3A_1324 = vector.broadcast %and3A_1323 : i32 to vector<16xi32>
            %and3A_1325 = arith.andi %xor3A_1322, %and3A_1324 : vector<16xi32>
            %eq3A_1326 = arith.constant 0 : i32
            %eq3A_1327 = vector.broadcast %eq3A_1326 : i32 to vector<16xi32>
            %eq3A_1328 = arith.cmpi eq, %and3A_1325, %eq3A_1327 : vector<16xi32>
            %xor3A_1329 = arith.constant 2 : i32
            %xor3A_1330 = vector.broadcast %xor3A_1329 : i32 to vector<16xi32>
            %xor3A_1331 = arith.xori %iota3A, %xor3A_1330 : vector<16xi32>
            %lt3A_1332 = arith.constant 0 : i32
            %lt3A_1333 = vector.broadcast %lt3A_1332 : i32 to vector<16xi32>
            %lt3A_1334 = arith.cmpi slt, %xor3A_1331, %lt3A_1333 : vector<16xi32>
            %add3A_1335 = arith.constant 16 : i32
            %add3A_1336 = vector.broadcast %add3A_1335 : i32 to vector<16xi32>
            %add3A_1337 = arith.addi %xor3A_1331, %add3A_1336 : vector<16xi32>
            %select_n3A_1338 = arith.select %lt3A_1334, %add3A_1337, %xor3A_1331 : vector<16xi1>, vector<16xi32>
            %broadcast_in_dim3A_1339 = vector.shape_cast %select_n3A_1338 : vector<16xi32> to vector<16x1xi32>
            %gather3A_1340 = vector.shape_cast %broadcast_in_dim3A_1339 : vector<16x1xi32> to vector<16xi32>
            %gather3A_1341 = tpu.dynamic_gather %select_n3A_1310[%gather3A_1340] in [0] : vector<16xf32>, vector<16xi32> -> vector<16xf32>
            %xor3A_1342 = arith.constant 2 : i32
            %xor3A_1343 = vector.broadcast %xor3A_1342 : i32 to vector<16xi32>
            %xor3A_1344 = arith.xori %iota3A, %xor3A_1343 : vector<16xi32>
            %lt3A_1345 = arith.constant 0 : i32
            %lt3A_1346 = vector.broadcast %lt3A_1345 : i32 to vector<16xi32>
            %lt3A_1347 = arith.cmpi slt, %xor3A_1344, %lt3A_1346 : vector<16xi32>
            %add3A_1348 = arith.constant 16 : i32
            %add3A_1349 = vector.broadcast %add3A_1348 : i32 to vector<16xi32>
            %add3A_1350 = arith.addi %xor3A_1344, %add3A_1349 : vector<16xi32>
            %select_n3A_1351 = arith.select %lt3A_1347, %add3A_1350, %xor3A_1344 : vector<16xi1>, vector<16xi32>
            %broadcast_in_dim3A_1352 = vector.shape_cast %select_n3A_1351 : vector<16xi32> to vector<16x1xi32>
            %gather3A_1353 = vector.shape_cast %broadcast_in_dim3A_1352 : vector<16x1xi32> to vector<16xi32>
            %gather3A_1354 = tpu.dynamic_gather %select_n3A_1315[%gather3A_1353] in [0] : vector<16xi32>, vector<16xi32> -> vector<16xi32>
            %min3A_1355 = arith.minimumf %select_n3A_1310, %gather3A_1341 : vector<16xf32>
            %max3A_1356 = arith.maximumf %select_n3A_1310, %gather3A_1341 : vector<16xf32>
            %select_n3A_1357 = arith.select %eq3A_1328, %min3A_1355, %max3A_1356 : vector<16xi1>, vector<16xf32>
            %le3A_1358 = arith.cmpf ole, %select_n3A_1310, %gather3A_1341 : vector<16xf32>
            %select_n3A_1359 = arith.select %le3A_1358, %select_n3A_1315, %gather3A_1354 : vector<16xi1>, vector<16xi32>
            %ge3A_1360 = arith.cmpf oge, %select_n3A_1310, %gather3A_1341 : vector<16xf32>
            %select_n3A_1361 = arith.select %ge3A_1360, %select_n3A_1315, %gather3A_1354 : vector<16xi1>, vector<16xi32>
            %select_n3A_1362 = arith.select %eq3A_1328, %select_n3A_1359, %select_n3A_1361 : vector<16xi1>, vector<16xi32>
            %shift_right_arithmetic3A_1363 = arith.constant 3 : i32
            %shift_right_arithmetic3A_1364 = vector.broadcast %shift_right_arithmetic3A_1363 : i32 to vector<16xi32>
            %shift_right_arithmetic3A_1365 = arith.shrsi %iota3A, %shift_right_arithmetic3A_1364 : vector<16xi32>
            %shift_right_arithmetic3A_1366 = arith.constant 0 : i32
            %shift_right_arithmetic3A_1367 = vector.broadcast %shift_right_arithmetic3A_1366 : i32 to vector<16xi32>
            %shift_right_arithmetic3A_1368 = arith.shrsi %iota3A, %shift_right_arithmetic3A_1367 : vector<16xi32>
            %xor3A_1369 = arith.xori %shift_right_arithmetic3A_1365, %shift_right_arithmetic3A_1368 : vector<16xi32>
            %and3A_1370 = arith.constant 1 : i32
            %and3A_1371 = vector.broadcast %and3A_1370 : i32 to vector<16xi32>
            %and3A_1372 = arith.andi %xor3A_1369, %and3A_1371 : vector<16xi32>
            %eq3A_1373 = arith.constant 0 : i32
            %eq3A_1374 = vector.broadcast %eq3A_1373 : i32 to vector<16xi32>
            %eq3A_1375 = arith.cmpi eq, %and3A_1372, %eq3A_1374 : vector<16xi32>
            %xor3A_1376 = arith.constant 1 : i32
            %xor3A_1377 = vector.broadcast %xor3A_1376 : i32 to vector<16xi32>
            %xor3A_1378 = arith.xori %iota3A, %xor3A_1377 : vector<16xi32>
            %lt3A_1379 = arith.constant 0 : i32
            %lt3A_1380 = vector.broadcast %lt3A_1379 : i32 to vector<16xi32>
            %lt3A_1381 = arith.cmpi slt, %xor3A_1378, %lt3A_1380 : vector<16xi32>
            %add3A_1382 = arith.constant 16 : i32
            %add3A_1383 = vector.broadcast %add3A_1382 : i32 to vector<16xi32>
            %add3A_1384 = arith.addi %xor3A_1378, %add3A_1383 : vector<16xi32>
            %select_n3A_1385 = arith.select %lt3A_1381, %add3A_1384, %xor3A_1378 : vector<16xi1>, vector<16xi32>
            %broadcast_in_dim3A_1386 = vector.shape_cast %select_n3A_1385 : vector<16xi32> to vector<16x1xi32>
            %gather3A_1387 = vector.shape_cast %broadcast_in_dim3A_1386 : vector<16x1xi32> to vector<16xi32>
            %gather3A_1388 = tpu.dynamic_gather %select_n3A_1357[%gather3A_1387] in [0] : vector<16xf32>, vector<16xi32> -> vector<16xf32>
            %xor3A_1389 = arith.constant 1 : i32
            %xor3A_1390 = vector.broadcast %xor3A_1389 : i32 to vector<16xi32>
            %xor3A_1391 = arith.xori %iota3A, %xor3A_1390 : vector<16xi32>
            %lt3A_1392 = arith.constant 0 : i32
            %lt3A_1393 = vector.broadcast %lt3A_1392 : i32 to vector<16xi32>
            %lt3A_1394 = arith.cmpi slt, %xor3A_1391, %lt3A_1393 : vector<16xi32>
            %add3A_1395 = arith.constant 16 : i32
            %add3A_1396 = vector.broadcast %add3A_1395 : i32 to vector<16xi32>
            %add3A_1397 = arith.addi %xor3A_1391, %add3A_1396 : vector<16xi32>
            %select_n3A_1398 = arith.select %lt3A_1394, %add3A_1397, %xor3A_1391 : vector<16xi1>, vector<16xi32>
            %broadcast_in_dim3A_1399 = vector.shape_cast %select_n3A_1398 : vector<16xi32> to vector<16x1xi32>
            %gather3A_1400 = vector.shape_cast %broadcast_in_dim3A_1399 : vector<16x1xi32> to vector<16xi32>
            %gather3A_1401 = tpu.dynamic_gather %select_n3A_1362[%gather3A_1400] in [0] : vector<16xi32>, vector<16xi32> -> vector<16xi32>
            %min3A_1402 = arith.minimumf %select_n3A_1357, %gather3A_1388 : vector<16xf32>
            %max3A_1403 = arith.maximumf %select_n3A_1357, %gather3A_1388 : vector<16xf32>
            %select_n3A_1404 = arith.select %eq3A_1375, %min3A_1402, %max3A_1403 : vector<16xi1>, vector<16xf32>
            %le3A_1405 = arith.cmpf ole, %select_n3A_1357, %gather3A_1388 : vector<16xf32>
            %select_n3A_1406 = arith.select %le3A_1405, %select_n3A_1362, %gather3A_1401 : vector<16xi1>, vector<16xi32>
            %ge3A_1407 = arith.cmpf oge, %select_n3A_1357, %gather3A_1388 : vector<16xf32>
            %select_n3A_1408 = arith.select %ge3A_1407, %select_n3A_1362, %gather3A_1401 : vector<16xi1>, vector<16xi32>
            %select_n3A_1409 = arith.select %eq3A_1375, %select_n3A_1406, %select_n3A_1408 : vector<16xi1>, vector<16xi32>
            %shift_right_arithmetic3A_1410 = arith.constant 3 : i32
            %shift_right_arithmetic3A_1411 = vector.broadcast %shift_right_arithmetic3A_1410 : i32 to vector<16xi32>
            %shift_right_arithmetic3A_1412 = arith.shrsi %iota3A, %shift_right_arithmetic3A_1411 : vector<16xi32>
            %and3A_1413 = arith.constant 1 : i32
            %and3A_1414 = vector.broadcast %and3A_1413 : i32 to vector<16xi32>
            %and3A_1415 = arith.andi %shift_right_arithmetic3A_1412, %and3A_1414 : vector<16xi32>
            %eq3A_1416 = arith.constant 1 : i32
            %eq3A_1417 = vector.broadcast %eq3A_1416 : i32 to vector<16xi32>
            %eq3A_1418 = arith.cmpi eq, %and3A_1415, %eq3A_1417 : vector<16xi32>
            %xor3A_1419 = arith.constant 8 : i32
            %xor3A_1420 = vector.broadcast %xor3A_1419 : i32 to vector<16xi32>
            %xor3A_1421 = arith.xori %iota3A, %xor3A_1420 : vector<16xi32>
            %lt3A_1422 = arith.constant 0 : i32
            %lt3A_1423 = vector.broadcast %lt3A_1422 : i32 to vector<16xi32>
            %lt3A_1424 = arith.cmpi slt, %xor3A_1421, %lt3A_1423 : vector<16xi32>
            %add3A_1425 = arith.constant 16 : i32
            %add3A_1426 = vector.broadcast %add3A_1425 : i32 to vector<16xi32>
            %add3A_1427 = arith.addi %xor3A_1421, %add3A_1426 : vector<16xi32>
            %select_n3A_1428 = arith.select %lt3A_1424, %add3A_1427, %xor3A_1421 : vector<16xi1>, vector<16xi32>
            %broadcast_in_dim3A_1429 = vector.shape_cast %select_n3A_1428 : vector<16xi32> to vector<16x1xi32>
            %gather3A_1430 = vector.shape_cast %broadcast_in_dim3A_1429 : vector<16x1xi32> to vector<16xi32>
            %gather3A_1431 = tpu.dynamic_gather %select_n3A_1404[%gather3A_1430] in [0] : vector<16xf32>, vector<16xi32> -> vector<16xf32>
            %xor3A_1432 = arith.constant 8 : i32
            %xor3A_1433 = vector.broadcast %xor3A_1432 : i32 to vector<16xi32>
            %xor3A_1434 = arith.xori %iota3A, %xor3A_1433 : vector<16xi32>
            %lt3A_1435 = arith.constant 0 : i32
            %lt3A_1436 = vector.broadcast %lt3A_1435 : i32 to vector<16xi32>
            %lt3A_1437 = arith.cmpi slt, %xor3A_1434, %lt3A_1436 : vector<16xi32>
            %add3A_1438 = arith.constant 16 : i32
            %add3A_1439 = vector.broadcast %add3A_1438 : i32 to vector<16xi32>
            %add3A_1440 = arith.addi %xor3A_1434, %add3A_1439 : vector<16xi32>
            %select_n3A_1441 = arith.select %lt3A_1437, %add3A_1440, %xor3A_1434 : vector<16xi1>, vector<16xi32>
            %broadcast_in_dim3A_1442 = vector.shape_cast %select_n3A_1441 : vector<16xi32> to vector<16x1xi32>
            %gather3A_1443 = vector.shape_cast %broadcast_in_dim3A_1442 : vector<16x1xi32> to vector<16xi32>
            %gather3A_1444 = tpu.dynamic_gather %select_n3A_1409[%gather3A_1443] in [0] : vector<16xi32>, vector<16xi32> -> vector<16xi32>
            %min3A_1445 = arith.minimumf %select_n3A_1404, %gather3A_1431 : vector<16xf32>
            %max3A_1446 = arith.maximumf %select_n3A_1404, %gather3A_1431 : vector<16xf32>
            %select_n3A_1447 = arith.select %eq3A_1418, %min3A_1445, %max3A_1446 : vector<16xi1>, vector<16xf32>
            %le3A_1448 = arith.cmpf ole, %select_n3A_1404, %gather3A_1431 : vector<16xf32>
            %select_n3A_1449 = arith.select %le3A_1448, %select_n3A_1409, %gather3A_1444 : vector<16xi1>, vector<16xi32>
            %ge3A_1450 = arith.cmpf oge, %select_n3A_1404, %gather3A_1431 : vector<16xf32>
            %select_n3A_1451 = arith.select %ge3A_1450, %select_n3A_1409, %gather3A_1444 : vector<16xi1>, vector<16xi32>
            %select_n3A_1452 = arith.select %eq3A_1418, %select_n3A_1449, %select_n3A_1451 : vector<16xi1>, vector<16xi32>
            %shift_right_arithmetic3A_1453 = arith.constant 2 : i32
            %shift_right_arithmetic3A_1454 = vector.broadcast %shift_right_arithmetic3A_1453 : i32 to vector<16xi32>
            %shift_right_arithmetic3A_1455 = arith.shrsi %iota3A, %shift_right_arithmetic3A_1454 : vector<16xi32>
            %and3A_1456 = arith.constant 1 : i32
            %and3A_1457 = vector.broadcast %and3A_1456 : i32 to vector<16xi32>
            %and3A_1458 = arith.andi %shift_right_arithmetic3A_1455, %and3A_1457 : vector<16xi32>
            %eq3A_1459 = arith.constant 1 : i32
            %eq3A_1460 = vector.broadcast %eq3A_1459 : i32 to vector<16xi32>
            %eq3A_1461 = arith.cmpi eq, %and3A_1458, %eq3A_1460 : vector<16xi32>
            %xor3A_1462 = arith.constant 4 : i32
            %xor3A_1463 = vector.broadcast %xor3A_1462 : i32 to vector<16xi32>
            %xor3A_1464 = arith.xori %iota3A, %xor3A_1463 : vector<16xi32>
            %lt3A_1465 = arith.constant 0 : i32
            %lt3A_1466 = vector.broadcast %lt3A_1465 : i32 to vector<16xi32>
            %lt3A_1467 = arith.cmpi slt, %xor3A_1464, %lt3A_1466 : vector<16xi32>
            %add3A_1468 = arith.constant 16 : i32
            %add3A_1469 = vector.broadcast %add3A_1468 : i32 to vector<16xi32>
            %add3A_1470 = arith.addi %xor3A_1464, %add3A_1469 : vector<16xi32>
            %select_n3A_1471 = arith.select %lt3A_1467, %add3A_1470, %xor3A_1464 : vector<16xi1>, vector<16xi32>
            %broadcast_in_dim3A_1472 = vector.shape_cast %select_n3A_1471 : vector<16xi32> to vector<16x1xi32>
            %gather3A_1473 = vector.shape_cast %broadcast_in_dim3A_1472 : vector<16x1xi32> to vector<16xi32>
            %gather3A_1474 = tpu.dynamic_gather %select_n3A_1447[%gather3A_1473] in [0] : vector<16xf32>, vector<16xi32> -> vector<16xf32>
            %xor3A_1475 = arith.constant 4 : i32
            %xor3A_1476 = vector.broadcast %xor3A_1475 : i32 to vector<16xi32>
            %xor3A_1477 = arith.xori %iota3A, %xor3A_1476 : vector<16xi32>
            %lt3A_1478 = arith.constant 0 : i32
            %lt3A_1479 = vector.broadcast %lt3A_1478 : i32 to vector<16xi32>
            %lt3A_1480 = arith.cmpi slt, %xor3A_1477, %lt3A_1479 : vector<16xi32>
            %add3A_1481 = arith.constant 16 : i32
            %add3A_1482 = vector.broadcast %add3A_1481 : i32 to vector<16xi32>
            %add3A_1483 = arith.addi %xor3A_1477, %add3A_1482 : vector<16xi32>
            %select_n3A_1484 = arith.select %lt3A_1480, %add3A_1483, %xor3A_1477 : vector<16xi1>, vector<16xi32>
            %broadcast_in_dim3A_1485 = vector.shape_cast %select_n3A_1484 : vector<16xi32> to vector<16x1xi32>
            %gather3A_1486 = vector.shape_cast %broadcast_in_dim3A_1485 : vector<16x1xi32> to vector<16xi32>
            %gather3A_1487 = tpu.dynamic_gather %select_n3A_1452[%gather3A_1486] in [0] : vector<16xi32>, vector<16xi32> -> vector<16xi32>
            %min3A_1488 = arith.minimumf %select_n3A_1447, %gather3A_1474 : vector<16xf32>
            %max3A_1489 = arith.maximumf %select_n3A_1447, %gather3A_1474 : vector<16xf32>
            %select_n3A_1490 = arith.select %eq3A_1461, %min3A_1488, %max3A_1489 : vector<16xi1>, vector<16xf32>
            %le3A_1491 = arith.cmpf ole, %select_n3A_1447, %gather3A_1474 : vector<16xf32>
            %select_n3A_1492 = arith.select %le3A_1491, %select_n3A_1452, %gather3A_1487 : vector<16xi1>, vector<16xi32>
            %ge3A_1493 = arith.cmpf oge, %select_n3A_1447, %gather3A_1474 : vector<16xf32>
            %select_n3A_1494 = arith.select %ge3A_1493, %select_n3A_1452, %gather3A_1487 : vector<16xi1>, vector<16xi32>
            %select_n3A_1495 = arith.select %eq3A_1461, %select_n3A_1492, %select_n3A_1494 : vector<16xi1>, vector<16xi32>
            %shift_right_arithmetic3A_1496 = arith.constant 1 : i32
            %shift_right_arithmetic3A_1497 = vector.broadcast %shift_right_arithmetic3A_1496 : i32 to vector<16xi32>
            %shift_right_arithmetic3A_1498 = arith.shrsi %iota3A, %shift_right_arithmetic3A_1497 : vector<16xi32>
            %and3A_1499 = arith.constant 1 : i32
            %and3A_1500 = vector.broadcast %and3A_1499 : i32 to vector<16xi32>
            %and3A_1501 = arith.andi %shift_right_arithmetic3A_1498, %and3A_1500 : vector<16xi32>
            %eq3A_1502 = arith.constant 1 : i32
            %eq3A_1503 = vector.broadcast %eq3A_1502 : i32 to vector<16xi32>
            %eq3A_1504 = arith.cmpi eq, %and3A_1501, %eq3A_1503 : vector<16xi32>
            %xor3A_1505 = arith.constant 2 : i32
            %xor3A_1506 = vector.broadcast %xor3A_1505 : i32 to vector<16xi32>
            %xor3A_1507 = arith.xori %iota3A, %xor3A_1506 : vector<16xi32>
            %lt3A_1508 = arith.constant 0 : i32
            %lt3A_1509 = vector.broadcast %lt3A_1508 : i32 to vector<16xi32>
            %lt3A_1510 = arith.cmpi slt, %xor3A_1507, %lt3A_1509 : vector<16xi32>
            %add3A_1511 = arith.constant 16 : i32
            %add3A_1512 = vector.broadcast %add3A_1511 : i32 to vector<16xi32>
            %add3A_1513 = arith.addi %xor3A_1507, %add3A_1512 : vector<16xi32>
            %select_n3A_1514 = arith.select %lt3A_1510, %add3A_1513, %xor3A_1507 : vector<16xi1>, vector<16xi32>
            %broadcast_in_dim3A_1515 = vector.shape_cast %select_n3A_1514 : vector<16xi32> to vector<16x1xi32>
            %gather3A_1516 = vector.shape_cast %broadcast_in_dim3A_1515 : vector<16x1xi32> to vector<16xi32>
            %gather3A_1517 = tpu.dynamic_gather %select_n3A_1490[%gather3A_1516] in [0] : vector<16xf32>, vector<16xi32> -> vector<16xf32>
            %xor3A_1518 = arith.constant 2 : i32
            %xor3A_1519 = vector.broadcast %xor3A_1518 : i32 to vector<16xi32>
            %xor3A_1520 = arith.xori %iota3A, %xor3A_1519 : vector<16xi32>
            %lt3A_1521 = arith.constant 0 : i32
            %lt3A_1522 = vector.broadcast %lt3A_1521 : i32 to vector<16xi32>
            %lt3A_1523 = arith.cmpi slt, %xor3A_1520, %lt3A_1522 : vector<16xi32>
            %add3A_1524 = arith.constant 16 : i32
            %add3A_1525 = vector.broadcast %add3A_1524 : i32 to vector<16xi32>
            %add3A_1526 = arith.addi %xor3A_1520, %add3A_1525 : vector<16xi32>
            %select_n3A_1527 = arith.select %lt3A_1523, %add3A_1526, %xor3A_1520 : vector<16xi1>, vector<16xi32>
            %broadcast_in_dim3A_1528 = vector.shape_cast %select_n3A_1527 : vector<16xi32> to vector<16x1xi32>
            %gather3A_1529 = vector.shape_cast %broadcast_in_dim3A_1528 : vector<16x1xi32> to vector<16xi32>
            %gather3A_1530 = tpu.dynamic_gather %select_n3A_1495[%gather3A_1529] in [0] : vector<16xi32>, vector<16xi32> -> vector<16xi32>
            %min3A_1531 = arith.minimumf %select_n3A_1490, %gather3A_1517 : vector<16xf32>
            %max3A_1532 = arith.maximumf %select_n3A_1490, %gather3A_1517 : vector<16xf32>
            %select_n3A_1533 = arith.select %eq3A_1504, %min3A_1531, %max3A_1532 : vector<16xi1>, vector<16xf32>
            %le3A_1534 = arith.cmpf ole, %select_n3A_1490, %gather3A_1517 : vector<16xf32>
            %select_n3A_1535 = arith.select %le3A_1534, %select_n3A_1495, %gather3A_1530 : vector<16xi1>, vector<16xi32>
            %ge3A_1536 = arith.cmpf oge, %select_n3A_1490, %gather3A_1517 : vector<16xf32>
            %select_n3A_1537 = arith.select %ge3A_1536, %select_n3A_1495, %gather3A_1530 : vector<16xi1>, vector<16xi32>
            %select_n3A_1538 = arith.select %eq3A_1504, %select_n3A_1535, %select_n3A_1537 : vector<16xi1>, vector<16xi32>
            %shift_right_arithmetic3A_1539 = arith.constant 0 : i32
            %shift_right_arithmetic3A_1540 = vector.broadcast %shift_right_arithmetic3A_1539 : i32 to vector<16xi32>
            %shift_right_arithmetic3A_1541 = arith.shrsi %iota3A, %shift_right_arithmetic3A_1540 : vector<16xi32>
            %and3A_1542 = arith.constant 1 : i32
            %and3A_1543 = vector.broadcast %and3A_1542 : i32 to vector<16xi32>
            %and3A_1544 = arith.andi %shift_right_arithmetic3A_1541, %and3A_1543 : vector<16xi32>
            %eq3A_1545 = arith.constant 1 : i32
            %eq3A_1546 = vector.broadcast %eq3A_1545 : i32 to vector<16xi32>
            %eq3A_1547 = arith.cmpi eq, %and3A_1544, %eq3A_1546 : vector<16xi32>
            %xor3A_1548 = arith.constant 1 : i32
            %xor3A_1549 = vector.broadcast %xor3A_1548 : i32 to vector<16xi32>
            %xor3A_1550 = arith.xori %iota3A, %xor3A_1549 : vector<16xi32>
            %lt3A_1551 = arith.constant 0 : i32
            %lt3A_1552 = vector.broadcast %lt3A_1551 : i32 to vector<16xi32>
            %lt3A_1553 = arith.cmpi slt, %xor3A_1550, %lt3A_1552 : vector<16xi32>
            %add3A_1554 = arith.constant 16 : i32
            %add3A_1555 = vector.broadcast %add3A_1554 : i32 to vector<16xi32>
            %add3A_1556 = arith.addi %xor3A_1550, %add3A_1555 : vector<16xi32>
            %select_n3A_1557 = arith.select %lt3A_1553, %add3A_1556, %xor3A_1550 : vector<16xi1>, vector<16xi32>
            %broadcast_in_dim3A_1558 = vector.shape_cast %select_n3A_1557 : vector<16xi32> to vector<16x1xi32>
            %gather3A_1559 = vector.shape_cast %broadcast_in_dim3A_1558 : vector<16x1xi32> to vector<16xi32>
            %gather3A_1560 = tpu.dynamic_gather %select_n3A_1533[%gather3A_1559] in [0] : vector<16xf32>, vector<16xi32> -> vector<16xf32>
            %xor3A_1561 = arith.constant 1 : i32
            %xor3A_1562 = vector.broadcast %xor3A_1561 : i32 to vector<16xi32>
            %xor3A_1563 = arith.xori %iota3A, %xor3A_1562 : vector<16xi32>
            %lt3A_1564 = arith.constant 0 : i32
            %lt3A_1565 = vector.broadcast %lt3A_1564 : i32 to vector<16xi32>
            %lt3A_1566 = arith.cmpi slt, %xor3A_1563, %lt3A_1565 : vector<16xi32>
            %add3A_1567 = arith.constant 16 : i32
            %add3A_1568 = vector.broadcast %add3A_1567 : i32 to vector<16xi32>
            %add3A_1569 = arith.addi %xor3A_1563, %add3A_1568 : vector<16xi32>
            %select_n3A_1570 = arith.select %lt3A_1566, %add3A_1569, %xor3A_1563 : vector<16xi1>, vector<16xi32>
            %broadcast_in_dim3A_1571 = vector.shape_cast %select_n3A_1570 : vector<16xi32> to vector<16x1xi32>
            %gather3A_1572 = vector.shape_cast %broadcast_in_dim3A_1571 : vector<16x1xi32> to vector<16xi32>
            %gather3A_1573 = tpu.dynamic_gather %select_n3A_1538[%gather3A_1572] in [0] : vector<16xi32>, vector<16xi32> -> vector<16xi32>
            %min3A_1574 = arith.minimumf %select_n3A_1533, %gather3A_1560 : vector<16xf32>
            %max3A_1575 = arith.maximumf %select_n3A_1533, %gather3A_1560 : vector<16xf32>
            %select_n3A_1576 = arith.select %eq3A_1547, %min3A_1574, %max3A_1575 : vector<16xi1>, vector<16xf32>
            %le3A_1577 = arith.cmpf ole, %select_n3A_1533, %gather3A_1560 : vector<16xf32>
            %select_n3A_1578 = arith.select %le3A_1577, %select_n3A_1538, %gather3A_1573 : vector<16xi1>, vector<16xi32>
            %ge3A_1579 = arith.cmpf oge, %select_n3A_1533, %gather3A_1560 : vector<16xf32>
            %select_n3A_1580 = arith.select %ge3A_1579, %select_n3A_1538, %gather3A_1573 : vector<16xi1>, vector<16xi32>
            %select_n3A_1581 = arith.select %eq3A_1547, %select_n3A_1578, %select_n3A_1580 : vector<16xi1>, vector<16xi32>
            %sub3A_1582 = arith.constant 15 : i32
            %sub3A_1583 = vector.broadcast %sub3A_1582 : i32 to vector<16xi32>
            %sub3A_1584 = arith.subi %sub3A_1583, %iota3A : vector<16xi32>
            %lt3A_1585 = arith.constant 0 : i32
            %lt3A_1586 = vector.broadcast %lt3A_1585 : i32 to vector<16xi32>
            %lt3A_1587 = arith.cmpi slt, %sub3A_1584, %lt3A_1586 : vector<16xi32>
            %add3A_1588 = arith.constant 16 : i32
            %add3A_1589 = vector.broadcast %add3A_1588 : i32 to vector<16xi32>
            %add3A_1590 = arith.addi %sub3A_1584, %add3A_1589 : vector<16xi32>
            %select_n3A_1591 = arith.select %lt3A_1587, %add3A_1590, %sub3A_1584 : vector<16xi1>, vector<16xi32>
            %broadcast_in_dim3A_1592 = vector.shape_cast %select_n3A_1591 : vector<16xi32> to vector<16x1xi32>
            %gather3A_1593 = vector.shape_cast %broadcast_in_dim3A_1592 : vector<16x1xi32> to vector<16xi32>
            %gather3A_1594 = tpu.dynamic_gather %select_n3A_1576[%gather3A_1593] in [0] : vector<16xf32>, vector<16xi32> -> vector<16xf32>
            %sub3A_1595 = arith.constant 15 : i32
            %sub3A_1596 = vector.broadcast %sub3A_1595 : i32 to vector<16xi32>
            %sub3A_1597 = arith.subi %sub3A_1596, %iota3A : vector<16xi32>
            %lt3A_1598 = arith.constant 0 : i32
            %lt3A_1599 = vector.broadcast %lt3A_1598 : i32 to vector<16xi32>
            %lt3A_1600 = arith.cmpi slt, %sub3A_1597, %lt3A_1599 : vector<16xi32>
            %add3A_1601 = arith.constant 16 : i32
            %add3A_1602 = vector.broadcast %add3A_1601 : i32 to vector<16xi32>
            %add3A_1603 = arith.addi %sub3A_1597, %add3A_1602 : vector<16xi32>
            %select_n3A_1604 = arith.select %lt3A_1600, %add3A_1603, %sub3A_1597 : vector<16xi1>, vector<16xi32>
            %broadcast_in_dim3A_1605 = vector.shape_cast %select_n3A_1604 : vector<16xi32> to vector<16x1xi32>
            %gather3A_1606 = vector.shape_cast %broadcast_in_dim3A_1605 : vector<16x1xi32> to vector<16xi32>
            %gather3A_1607 = tpu.dynamic_gather %select_n3A_1581[%gather3A_1606] in [0] : vector<16xi32>, vector<16xi32> -> vector<16xi32>
            %lt3A_1608 = arith.constant 8 : i32
            %lt3A_1609 = vector.broadcast %lt3A_1608 : i32 to vector<16xi32>
            %lt3A_1610 = arith.cmpi slt, %iota3A, %lt3A_1609 : vector<16xi32>
            %get3A_1611 = arith.constant 0 : index
            %get3A_1612 = tpu.vector_load %arg8[%get3A_1611] {strides = array<i32>} : memref<16xf32, #tpu.memory_space<vmem>>, vector<16xf32>,
            %get3A_1613 = vector.shape_cast %get3A_1612 : vector<16xf32> to vector<16xf32>
            %select_n3A_1614 = arith.select %lt3A_1610, %get3A_1613, %gather3A_1594 : vector<16xi1>, vector<16xf32>
            %get3A_1615 = arith.constant 0 : index
            %get3A_1616 = tpu.vector_load %arg9[%get3A_1615] {strides = array<i32>} : memref<16xi32, #tpu.memory_space<vmem>>, vector<16xi32>,
            %get3A_1617 = vector.shape_cast %get3A_1616 : vector<16xi32> to vector<16xi32>
            %select_n3A_1618 = arith.select %lt3A_1610, %get3A_1617, %gather3A_1607 : vector<16xi1>, vector<16xi32>
            %shift_right_arithmetic3A_1619 = arith.constant 3 : i32
            %shift_right_arithmetic3A_1620 = vector.broadcast %shift_right_arithmetic3A_1619 : i32 to vector<16xi32>
            %shift_right_arithmetic3A_1621 = arith.shrsi %iota3A, %shift_right_arithmetic3A_1620 : vector<16xi32>
            %and3A_1622 = arith.constant 1 : i32
            %and3A_1623 = vector.broadcast %and3A_1622 : i32 to vector<16xi32>
            %and3A_1624 = arith.andi %shift_right_arithmetic3A_1621, %and3A_1623 : vector<16xi32>
            %eq3A_1625 = arith.constant 1 : i32
            %eq3A_1626 = vector.broadcast %eq3A_1625 : i32 to vector<16xi32>
            %eq3A_1627 = arith.cmpi eq, %and3A_1624, %eq3A_1626 : vector<16xi32>
            %xor3A_1628 = arith.constant 8 : i32
            %xor3A_1629 = vector.broadcast %xor3A_1628 : i32 to vector<16xi32>
            %xor3A_1630 = arith.xori %iota3A, %xor3A_1629 : vector<16xi32>
            %lt3A_1631 = arith.constant 0 : i32
            %lt3A_1632 = vector.broadcast %lt3A_1631 : i32 to vector<16xi32>
            %lt3A_1633 = arith.cmpi slt, %xor3A_1630, %lt3A_1632 : vector<16xi32>
            %add3A_1634 = arith.constant 16 : i32
            %add3A_1635 = vector.broadcast %add3A_1634 : i32 to vector<16xi32>
            %add3A_1636 = arith.addi %xor3A_1630, %add3A_1635 : vector<16xi32>
            %select_n3A_1637 = arith.select %lt3A_1633, %add3A_1636, %xor3A_1630 : vector<16xi1>, vector<16xi32>
            %broadcast_in_dim3A_1638 = vector.shape_cast %select_n3A_1637 : vector<16xi32> to vector<16x1xi32>
            %gather3A_1639 = vector.shape_cast %broadcast_in_dim3A_1638 : vector<16x1xi32> to vector<16xi32>
            %gather3A_1640 = tpu.dynamic_gather %select_n3A_1614[%gather3A_1639] in [0] : vector<16xf32>, vector<16xi32> -> vector<16xf32>
            %xor3A_1641 = arith.constant 8 : i32
            %xor3A_1642 = vector.broadcast %xor3A_1641 : i32 to vector<16xi32>
            %xor3A_1643 = arith.xori %iota3A, %xor3A_1642 : vector<16xi32>
            %lt3A_1644 = arith.constant 0 : i32
            %lt3A_1645 = vector.broadcast %lt3A_1644 : i32 to vector<16xi32>
            %lt3A_1646 = arith.cmpi slt, %xor3A_1643, %lt3A_1645 : vector<16xi32>
            %add3A_1647 = arith.constant 16 : i32
            %add3A_1648 = vector.broadcast %add3A_1647 : i32 to vector<16xi32>
            %add3A_1649 = arith.addi %xor3A_1643, %add3A_1648 : vector<16xi32>
            %select_n3A_1650 = arith.select %lt3A_1646, %add3A_1649, %xor3A_1643 : vector<16xi1>, vector<16xi32>
            %broadcast_in_dim3A_1651 = vector.shape_cast %select_n3A_1650 : vector<16xi32> to vector<16x1xi32>
            %gather3A_1652 = vector.shape_cast %broadcast_in_dim3A_1651 : vector<16x1xi32> to vector<16xi32>
            %gather3A_1653 = tpu.dynamic_gather %select_n3A_1618[%gather3A_1652] in [0] : vector<16xi32>, vector<16xi32> -> vector<16xi32>
            %min3A_1654 = arith.minimumf %select_n3A_1614, %gather3A_1640 : vector<16xf32>
            %max3A_1655 = arith.maximumf %select_n3A_1614, %gather3A_1640 : vector<16xf32>
            %select_n3A_1656 = arith.select %eq3A_1627, %min3A_1654, %max3A_1655 : vector<16xi1>, vector<16xf32>
            %le3A_1657 = arith.cmpf ole, %select_n3A_1614, %gather3A_1640 : vector<16xf32>
            %select_n3A_1658 = arith.select %le3A_1657, %select_n3A_1618, %gather3A_1653 : vector<16xi1>, vector<16xi32>
            %ge3A_1659 = arith.cmpf oge, %select_n3A_1614, %gather3A_1640 : vector<16xf32>
            %select_n3A_1660 = arith.select %ge3A_1659, %select_n3A_1618, %gather3A_1653 : vector<16xi1>, vector<16xi32>
            %select_n3A_1661 = arith.select %eq3A_1627, %select_n3A_1658, %select_n3A_1660 : vector<16xi1>, vector<16xi32>
            %shift_right_arithmetic3A_1662 = arith.constant 2 : i32
            %shift_right_arithmetic3A_1663 = vector.broadcast %shift_right_arithmetic3A_1662 : i32 to vector<16xi32>
            %shift_right_arithmetic3A_1664 = arith.shrsi %iota3A, %shift_right_arithmetic3A_1663 : vector<16xi32>
            %and3A_1665 = arith.constant 1 : i32
            %and3A_1666 = vector.broadcast %and3A_1665 : i32 to vector<16xi32>
            %and3A_1667 = arith.andi %shift_right_arithmetic3A_1664, %and3A_1666 : vector<16xi32>
            %eq3A_1668 = arith.constant 1 : i32
            %eq3A_1669 = vector.broadcast %eq3A_1668 : i32 to vector<16xi32>
            %eq3A_1670 = arith.cmpi eq, %and3A_1667, %eq3A_1669 : vector<16xi32>
            %xor3A_1671 = arith.constant 4 : i32
            %xor3A_1672 = vector.broadcast %xor3A_1671 : i32 to vector<16xi32>
            %xor3A_1673 = arith.xori %iota3A, %xor3A_1672 : vector<16xi32>
            %lt3A_1674 = arith.constant 0 : i32
            %lt3A_1675 = vector.broadcast %lt3A_1674 : i32 to vector<16xi32>
            %lt3A_1676 = arith.cmpi slt, %xor3A_1673, %lt3A_1675 : vector<16xi32>
            %add3A_1677 = arith.constant 16 : i32
            %add3A_1678 = vector.broadcast %add3A_1677 : i32 to vector<16xi32>
            %add3A_1679 = arith.addi %xor3A_1673, %add3A_1678 : vector<16xi32>
            %select_n3A_1680 = arith.select %lt3A_1676, %add3A_1679, %xor3A_1673 : vector<16xi1>, vector<16xi32>
            %broadcast_in_dim3A_1681 = vector.shape_cast %select_n3A_1680 : vector<16xi32> to vector<16x1xi32>
            %gather3A_1682 = vector.shape_cast %broadcast_in_dim3A_1681 : vector<16x1xi32> to vector<16xi32>
            %gather3A_1683 = tpu.dynamic_gather %select_n3A_1656[%gather3A_1682] in [0] : vector<16xf32>, vector<16xi32> -> vector<16xf32>
            %xor3A_1684 = arith.constant 4 : i32
            %xor3A_1685 = vector.broadcast %xor3A_1684 : i32 to vector<16xi32>
            %xor3A_1686 = arith.xori %iota3A, %xor3A_1685 : vector<16xi32>
            %lt3A_1687 = arith.constant 0 : i32
            %lt3A_1688 = vector.broadcast %lt3A_1687 : i32 to vector<16xi32>
            %lt3A_1689 = arith.cmpi slt, %xor3A_1686, %lt3A_1688 : vector<16xi32>
            %add3A_1690 = arith.constant 16 : i32
            %add3A_1691 = vector.broadcast %add3A_1690 : i32 to vector<16xi32>
            %add3A_1692 = arith.addi %xor3A_1686, %add3A_1691 : vector<16xi32>
            %select_n3A_1693 = arith.select %lt3A_1689, %add3A_1692, %xor3A_1686 : vector<16xi1>, vector<16xi32>
            %broadcast_in_dim3A_1694 = vector.shape_cast %select_n3A_1693 : vector<16xi32> to vector<16x1xi32>
            %gather3A_1695 = vector.shape_cast %broadcast_in_dim3A_1694 : vector<16x1xi32> to vector<16xi32>
            %gather3A_1696 = tpu.dynamic_gather %select_n3A_1661[%gather3A_1695] in [0] : vector<16xi32>, vector<16xi32> -> vector<16xi32>
            %min3A_1697 = arith.minimumf %select_n3A_1656, %gather3A_1683 : vector<16xf32>
            %max3A_1698 = arith.maximumf %select_n3A_1656, %gather3A_1683 : vector<16xf32>
            %select_n3A_1699 = arith.select %eq3A_1670, %min3A_1697, %max3A_1698 : vector<16xi1>, vector<16xf32>
            %le3A_1700 = arith.cmpf ole, %select_n3A_1656, %gather3A_1683 : vector<16xf32>
            %select_n3A_1701 = arith.select %le3A_1700, %select_n3A_1661, %gather3A_1696 : vector<16xi1>, vector<16xi32>
            %ge3A_1702 = arith.cmpf oge, %select_n3A_1656, %gather3A_1683 : vector<16xf32>
            %select_n3A_1703 = arith.select %ge3A_1702, %select_n3A_1661, %gather3A_1696 : vector<16xi1>, vector<16xi32>
            %select_n3A_1704 = arith.select %eq3A_1670, %select_n3A_1701, %select_n3A_1703 : vector<16xi1>, vector<16xi32>
            %shift_right_arithmetic3A_1705 = arith.constant 1 : i32
            %shift_right_arithmetic3A_1706 = vector.broadcast %shift_right_arithmetic3A_1705 : i32 to vector<16xi32>
            %shift_right_arithmetic3A_1707 = arith.shrsi %iota3A, %shift_right_arithmetic3A_1706 : vector<16xi32>
            %and3A_1708 = arith.constant 1 : i32
            %and3A_1709 = vector.broadcast %and3A_1708 : i32 to vector<16xi32>
            %and3A_1710 = arith.andi %shift_right_arithmetic3A_1707, %and3A_1709 : vector<16xi32>
            %eq3A_1711 = arith.constant 1 : i32
            %eq3A_1712 = vector.broadcast %eq3A_1711 : i32 to vector<16xi32>
            %eq3A_1713 = arith.cmpi eq, %and3A_1710, %eq3A_1712 : vector<16xi32>
            %xor3A_1714 = arith.constant 2 : i32
            %xor3A_1715 = vector.broadcast %xor3A_1714 : i32 to vector<16xi32>
            %xor3A_1716 = arith.xori %iota3A, %xor3A_1715 : vector<16xi32>
            %lt3A_1717 = arith.constant 0 : i32
            %lt3A_1718 = vector.broadcast %lt3A_1717 : i32 to vector<16xi32>
            %lt3A_1719 = arith.cmpi slt, %xor3A_1716, %lt3A_1718 : vector<16xi32>
            %add3A_1720 = arith.constant 16 : i32
            %add3A_1721 = vector.broadcast %add3A_1720 : i32 to vector<16xi32>
            %add3A_1722 = arith.addi %xor3A_1716, %add3A_1721 : vector<16xi32>
            %select_n3A_1723 = arith.select %lt3A_1719, %add3A_1722, %xor3A_1716 : vector<16xi1>, vector<16xi32>
            %broadcast_in_dim3A_1724 = vector.shape_cast %select_n3A_1723 : vector<16xi32> to vector<16x1xi32>
            %gather3A_1725 = vector.shape_cast %broadcast_in_dim3A_1724 : vector<16x1xi32> to vector<16xi32>
            %gather3A_1726 = tpu.dynamic_gather %select_n3A_1699[%gather3A_1725] in [0] : vector<16xf32>, vector<16xi32> -> vector<16xf32>
            %xor3A_1727 = arith.constant 2 : i32
            %xor3A_1728 = vector.broadcast %xor3A_1727 : i32 to vector<16xi32>
            %xor3A_1729 = arith.xori %iota3A, %xor3A_1728 : vector<16xi32>
            %lt3A_1730 = arith.constant 0 : i32
            %lt3A_1731 = vector.broadcast %lt3A_1730 : i32 to vector<16xi32>
            %lt3A_1732 = arith.cmpi slt, %xor3A_1729, %lt3A_1731 : vector<16xi32>
            %add3A_1733 = arith.constant 16 : i32
            %add3A_1734 = vector.broadcast %add3A_1733 : i32 to vector<16xi32>
            %add3A_1735 = arith.addi %xor3A_1729, %add3A_1734 : vector<16xi32>
            %select_n3A_1736 = arith.select %lt3A_1732, %add3A_1735, %xor3A_1729 : vector<16xi1>, vector<16xi32>
            %broadcast_in_dim3A_1737 = vector.shape_cast %select_n3A_1736 : vector<16xi32> to vector<16x1xi32>
            %gather3A_1738 = vector.shape_cast %broadcast_in_dim3A_1737 : vector<16x1xi32> to vector<16xi32>
            %gather3A_1739 = tpu.dynamic_gather %select_n3A_1704[%gather3A_1738] in [0] : vector<16xi32>, vector<16xi32> -> vector<16xi32>
            %min3A_1740 = arith.minimumf %select_n3A_1699, %gather3A_1726 : vector<16xf32>
            %max3A_1741 = arith.maximumf %select_n3A_1699, %gather3A_1726 : vector<16xf32>
            %select_n3A_1742 = arith.select %eq3A_1713, %min3A_1740, %max3A_1741 : vector<16xi1>, vector<16xf32>
            %le3A_1743 = arith.cmpf ole, %select_n3A_1699, %gather3A_1726 : vector<16xf32>
            %select_n3A_1744 = arith.select %le3A_1743, %select_n3A_1704, %gather3A_1739 : vector<16xi1>, vector<16xi32>
            %ge3A_1745 = arith.cmpf oge, %select_n3A_1699, %gather3A_1726 : vector<16xf32>
            %select_n3A_1746 = arith.select %ge3A_1745, %select_n3A_1704, %gather3A_1739 : vector<16xi1>, vector<16xi32>
            %select_n3A_1747 = arith.select %eq3A_1713, %select_n3A_1744, %select_n3A_1746 : vector<16xi1>, vector<16xi32>
            %shift_right_arithmetic3A_1748 = arith.constant 0 : i32
            %shift_right_arithmetic3A_1749 = vector.broadcast %shift_right_arithmetic3A_1748 : i32 to vector<16xi32>
            %shift_right_arithmetic3A_1750 = arith.shrsi %iota3A, %shift_right_arithmetic3A_1749 : vector<16xi32>
            %and3A_1751 = arith.constant 1 : i32
            %and3A_1752 = vector.broadcast %and3A_1751 : i32 to vector<16xi32>
            %and3A_1753 = arith.andi %shift_right_arithmetic3A_1750, %and3A_1752 : vector<16xi32>
            %eq3A_1754 = arith.constant 1 : i32
            %eq3A_1755 = vector.broadcast %eq3A_1754 : i32 to vector<16xi32>
            %eq3A_1756 = arith.cmpi eq, %and3A_1753, %eq3A_1755 : vector<16xi32>
            %xor3A_1757 = arith.constant 1 : i32
            %xor3A_1758 = vector.broadcast %xor3A_1757 : i32 to vector<16xi32>
            %xor3A_1759 = arith.xori %iota3A, %xor3A_1758 : vector<16xi32>
            %lt3A_1760 = arith.constant 0 : i32
            %lt3A_1761 = vector.broadcast %lt3A_1760 : i32 to vector<16xi32>
            %lt3A_1762 = arith.cmpi slt, %xor3A_1759, %lt3A_1761 : vector<16xi32>
            %add3A_1763 = arith.constant 16 : i32
            %add3A_1764 = vector.broadcast %add3A_1763 : i32 to vector<16xi32>
            %add3A_1765 = arith.addi %xor3A_1759, %add3A_1764 : vector<16xi32>
            %select_n3A_1766 = arith.select %lt3A_1762, %add3A_1765, %xor3A_1759 : vector<16xi1>, vector<16xi32>
            %broadcast_in_dim3A_1767 = vector.shape_cast %select_n3A_1766 : vector<16xi32> to vector<16x1xi32>
            %gather3A_1768 = vector.shape_cast %broadcast_in_dim3A_1767 : vector<16x1xi32> to vector<16xi32>
            %gather3A_1769 = tpu.dynamic_gather %select_n3A_1742[%gather3A_1768] in [0] : vector<16xf32>, vector<16xi32> -> vector<16xf32>
            %xor3A_1770 = arith.constant 1 : i32
            %xor3A_1771 = vector.broadcast %xor3A_1770 : i32 to vector<16xi32>
            %xor3A_1772 = arith.xori %iota3A, %xor3A_1771 : vector<16xi32>
            %lt3A_1773 = arith.constant 0 : i32
            %lt3A_1774 = vector.broadcast %lt3A_1773 : i32 to vector<16xi32>
            %lt3A_1775 = arith.cmpi slt, %xor3A_1772, %lt3A_1774 : vector<16xi32>
            %add3A_1776 = arith.constant 16 : i32
            %add3A_1777 = vector.broadcast %add3A_1776 : i32 to vector<16xi32>
            %add3A_1778 = arith.addi %xor3A_1772, %add3A_1777 : vector<16xi32>
            %select_n3A_1779 = arith.select %lt3A_1775, %add3A_1778, %xor3A_1772 : vector<16xi1>, vector<16xi32>
            %broadcast_in_dim3A_1780 = vector.shape_cast %select_n3A_1779 : vector<16xi32> to vector<16x1xi32>
            %gather3A_1781 = vector.shape_cast %broadcast_in_dim3A_1780 : vector<16x1xi32> to vector<16xi32>
            %gather3A_1782 = tpu.dynamic_gather %select_n3A_1747[%gather3A_1781] in [0] : vector<16xi32>, vector<16xi32> -> vector<16xi32>
            %min3A_1783 = arith.minimumf %select_n3A_1742, %gather3A_1769 : vector<16xf32>
            %max3A_1784 = arith.maximumf %select_n3A_1742, %gather3A_1769 : vector<16xf32>
            %select_n3A_1785 = arith.select %eq3A_1756, %min3A_1783, %max3A_1784 : vector<16xi1>, vector<16xf32>
            %le3A_1786 = arith.cmpf ole, %select_n3A_1742, %gather3A_1769 : vector<16xf32>
            %select_n3A_1787 = arith.select %le3A_1786, %select_n3A_1747, %gather3A_1782 : vector<16xi1>, vector<16xi32>
            %ge3A_1788 = arith.cmpf oge, %select_n3A_1742, %gather3A_1769 : vector<16xf32>
            %select_n3A_1789 = arith.select %ge3A_1788, %select_n3A_1747, %gather3A_1782 : vector<16xi1>, vector<16xi32>
            %select_n3A_1790 = arith.select %eq3A_1756, %select_n3A_1787, %select_n3A_1789 : vector<16xi1>, vector<16xi32>
            %select_n3A_1791 = arith.select %lt3A_1610, %select_n3A_1785, %broadcast_in_dim3A_1 : vector<16xi1>, vector<16xf32>
            %swap3A_1792 = arith.constant 0 : index
            %swap3A_1793 = tpu.vector_load %arg8[%swap3A_1792] {strides = array<i32>} : memref<16xf32, #tpu.memory_space<vmem>>, vector<16xf32>,
            %swap3A_1794 = vector.shape_cast %swap3A_1793 : vector<16xf32> to vector<16xf32>
            %swap3A_1795 = vector.shape_cast %select_n3A_1791 : vector<16xf32> to vector<16xf32>
            tpu.vector_store %arg8[%swap3A_1792], %swap3A_1795 {strides = array<i32>} : memref<16xf32, #tpu.memory_space<vmem>>, vector<16xf32>,
            %jit3A_1796 = arith.constant 0 : i32
            %broadcast_in_dim3A_1797 = vector.broadcast %jit3A_1796 : i32 to vector<16xi32>
            %select_n3A_1798 = arith.select %lt3A_1610, %select_n3A_1790, %broadcast_in_dim3A_1797 : vector<16xi1>, vector<16xi32>
            %swap3A_1799 = arith.constant 0 : index
            %swap3A_1800 = tpu.vector_load %arg9[%swap3A_1799] {strides = array<i32>} : memref<16xi32, #tpu.memory_space<vmem>>, vector<16xi32>,
            %swap3A_1801 = vector.shape_cast %swap3A_1800 : vector<16xi32> to vector<16xi32>
            %swap3A_1802 = vector.shape_cast %select_n3A_1798 : vector<16xi32> to vector<16xi32>
            tpu.vector_store %arg9[%swap3A_1799], %swap3A_1802 {strides = array<i32>} : memref<16xi32, #tpu.memory_space<vmem>>, vector<16xi32>,
            %slice3A_1803 = vector.extract_strided_slice %select_n3A_1785 {offsets = [7], sizes = [1], strides = [1]} : vector<16xf32> to vector<1xf32>
            %squeeze3A_1804 = vector.extract %slice3A_1803[0] : f32 from vector<1xf32>
            %swap3A_1805 = arith.constant 0 : i32
            %swap3A_1806 = arith.index_cast %swap3A_1805 : i32 to index
            %swap3A_1807 = memref.load %arg16[%swap3A_1806] : memref<1xf32, #tpu.memory_space<smem>>
            memref.store %squeeze3A_1804, %arg16[%swap3A_1806] : memref<1xf32, #tpu.memory_space<smem>>
          } else {
          }
          scf.yield %add3A_1060 : vector<16xf32>
        }
        %scan3A_1012 = arith.constant 1250 : i32
        scf.yield %scan3A_1011 : vector<16xf32>
      }
      %scan3A_33 = arith.constant 5 : i32
      %get3A = arith.constant 0 : index
      %get3A_34 = tpu.vector_load %arg8[%get3A] {strides = array<i32>} : memref<16xf32, #tpu.memory_space<vmem>>, vector<16xf32>,
      %get3A_35 = vector.shape_cast %get3A_34 : vector<16xf32> to vector<16xf32>
      %get3A_36 = arith.constant 0 : index
      %get3A_37 = tpu.vector_load %arg9[%get3A_36] {strides = array<i32>} : memref<16xi32, #tpu.memory_space<vmem>>, vector<16xi32>,
      %get3A_38 = vector.shape_cast %get3A_37 : vector<16xi32> to vector<16xi32>
      %get3A_39 = arith.constant 0 : index
      %get3A_40 = tpu.vector_load %arg10[%get3A_39] {strides = array<i32>} : memref<16xi32, #tpu.memory_space<vmem>>, vector<16xi32>,
      %get3A_41 = vector.shape_cast %get3A_40 : vector<16xi32> to vector<16xi32>
      %broadcast_in_dim3A_42 = vector.broadcast %scan3A_9 : i32 to vector<16xi32>
      %lt3A = arith.constant 0 : i32
      %lt3A_43 = vector.broadcast %lt3A : i32 to vector<16xi32>
      %lt3A_44 = arith.cmpi slt, %broadcast_in_dim3A_42, %lt3A_43 : vector<16xi32>
      %add3A_45 = arith.constant 16 : i32
      %add3A_46 = vector.broadcast %add3A_45 : i32 to vector<16xi32>
      %add3A_47 = arith.addi %broadcast_in_dim3A_42, %add3A_46 : vector<16xi32>
      %select_n3A = arith.select %lt3A_44, %add3A_47, %broadcast_in_dim3A_42 : vector<16xi1>, vector<16xi32>
      %broadcast_in_dim3A_48 = vector.shape_cast %select_n3A : vector<16xi32> to vector<16x1xi32>
      %gather3A = vector.shape_cast %broadcast_in_dim3A_48 : vector<16x1xi32> to vector<16xi32>
      %gather3A_49 = tpu.dynamic_gather %get3A_41[%gather3A] in [0] : vector<16xi32>, vector<16xi32> -> vector<16xi32>
      %lt3A_50 = arith.constant 8 : i32
      %lt3A_51 = vector.broadcast %lt3A_50 : i32 to vector<16xi32>
      %lt3A_52 = arith.cmpi slt, %iota3A, %lt3A_51 : vector<16xi32>
      %jit3A = arith.constant 0 : i32
      %broadcast_in_dim3A_53 = vector.broadcast %jit3A : i32 to vector<16xi32>
      %select_n3A_54 = arith.select %lt3A_52, %get3A_38, %broadcast_in_dim3A_53 : vector<16xi1>, vector<16xi32>
      %eq3A = arith.constant 8 : i32
      %eq3A_55 = vector.broadcast %eq3A : i32 to vector<16xi32>
      %eq3A_56 = arith.cmpi eq, %iota3A, %eq3A_55 : vector<16xi32>
      %select_n3A_57 = arith.select %eq3A_56, %gather3A_49, %select_n3A_54 : vector<16xi1>, vector<16xi32>
      %shift_right_arithmetic3A = arith.constant 1 : i32
      %shift_right_arithmetic3A_58 = vector.broadcast %shift_right_arithmetic3A : i32 to vector<16xi32>
      %shift_right_arithmetic3A_59 = arith.shrsi %select_n3A_57, %shift_right_arithmetic3A_58 : vector<16xi32>
      %swap3A_60 = arith.constant 0 : index
      %swap3A_61 = tpu.vector_load %arg12[%swap3A_60] {strides = array<i32>} : memref<16xi32, #tpu.memory_space<vmem>>, vector<16xi32>,
      %swap3A_62 = vector.shape_cast %swap3A_61 : vector<16xi32> to vector<16xi32>
      %swap3A_63 = vector.shape_cast %shift_right_arithmetic3A_59 : vector<16xi32> to vector<16xi32>
      tpu.vector_store %arg12[%swap3A_60], %swap3A_63 {strides = array<i32>} : memref<16xi32, #tpu.memory_space<vmem>>, vector<16xi32>,
      %and3A = arith.constant 1 : i32
      %and3A_64 = vector.broadcast %and3A : i32 to vector<16xi32>
      %and3A_65 = arith.andi %select_n3A_57, %and3A_64 : vector<16xi32>
      %dma_start3A = arith.constant 0 : i32
      %dma_start3A_66 = arith.constant 0 : i32
      %dma_start3A_67 = tpu.memref_slice %arg4[%dma_start3A, %dma_start3A_66] : memref<50000x128xf32, #tpu.memory_space<hbm>> -> memref<50000x128xf32, #tpu.memory_space<hbm>>
      tpu.enqueue_indirect_dma source(%dma_start3A_67 : memref<50000x128xf32, #tpu.memory_space<hbm>>) target(%arg13 : memref<16x128xf32, #tpu.memory_space<vmem>>) offsets(%arg12 : memref<16xi32, #tpu.memory_space<vmem>>) semaphore(%arg17 : memref<!tpu.dma_semaphore, #tpu.memory_space<semaphore_mem>>)
      %dma_wait3A = arith.constant 0 : i32
      %dma_wait3A_68 = arith.constant 0 : i32
      %dma_wait3A_69 = tpu.memref_slice %arg4[%dma_wait3A, %dma_wait3A_68] : memref<50000x128xf32, #tpu.memory_space<hbm>> -> memref<50000x128xf32, #tpu.memory_space<hbm>>
      tpu.wait_indirect_dma semaphore(%arg17 : memref<!tpu.dma_semaphore, #tpu.memory_space<semaphore_mem>>) src(%dma_wait3A_69 : memref<50000x128xf32, #tpu.memory_space<hbm>>) dst(%arg13 : memref<16x128xf32, #tpu.memory_space<vmem>>)
      %jit3A_70 = arith.constant 0.000000e+00 : f32
      %broadcast_in_dim3A_71 = vector.broadcast %jit3A_70 : f32 to vector<16xf32>
      %select_n3A_72 = arith.select %lt3A_52, %get3A_35, %broadcast_in_dim3A_71 : vector<16xi1>, vector<16xf32>
      %xor3A = arith.constant 8 : i32
      %xor3A_73 = vector.broadcast %xor3A : i32 to vector<16xi32>
      %xor3A_74 = arith.xori %iota3A, %xor3A_73 : vector<16xi32>
      %lt3A_75 = arith.constant 0 : i32
      %lt3A_76 = vector.broadcast %lt3A_75 : i32 to vector<16xi32>
      %lt3A_77 = arith.cmpi slt, %xor3A_74, %lt3A_76 : vector<16xi32>
      %add3A_78 = arith.constant 16 : i32
      %add3A_79 = vector.broadcast %add3A_78 : i32 to vector<16xi32>
      %add3A_80 = arith.addi %xor3A_74, %add3A_79 : vector<16xi32>
      %select_n3A_81 = arith.select %lt3A_77, %add3A_80, %xor3A_74 : vector<16xi1>, vector<16xi32>
      %broadcast_in_dim3A_82 = vector.shape_cast %select_n3A_81 : vector<16xi32> to vector<16x1xi32>
      %gather3A_83 = vector.shape_cast %broadcast_in_dim3A_82 : vector<16x1xi32> to vector<16xi32>
      %gather3A_84 = tpu.dynamic_gather %select_n3A_72[%gather3A_83] in [0] : vector<16xf32>, vector<16xi32> -> vector<16xf32>
      %add3A_85 = arith.addf %select_n3A_72, %gather3A_84 : vector<16xf32>
      %xor3A_86 = arith.constant 4 : i32
      %xor3A_87 = vector.broadcast %xor3A_86 : i32 to vector<16xi32>
      %xor3A_88 = arith.xori %iota3A, %xor3A_87 : vector<16xi32>
      %lt3A_89 = arith.constant 0 : i32
      %lt3A_90 = vector.broadcast %lt3A_89 : i32 to vector<16xi32>
      %lt3A_91 = arith.cmpi slt, %xor3A_88, %lt3A_90 : vector<16xi32>
      %add3A_92 = arith.constant 16 : i32
      %add3A_93 = vector.broadcast %add3A_92 : i32 to vector<16xi32>
      %add3A_94 = arith.addi %xor3A_88, %add3A_93 : vector<16xi32>
      %select_n3A_95 = arith.select %lt3A_91, %add3A_94, %xor3A_88 : vector<16xi1>, vector<16xi32>
      %broadcast_in_dim3A_96 = vector.shape_cast %select_n3A_95 : vector<16xi32> to vector<16x1xi32>
      %gather3A_97 = vector.shape_cast %broadcast_in_dim3A_96 : vector<16x1xi32> to vector<16xi32>
      %gather3A_98 = tpu.dynamic_gather %add3A_85[%gather3A_97] in [0] : vector<16xf32>, vector<16xi32> -> vector<16xf32>
      %add3A_99 = arith.addf %add3A_85, %gather3A_98 : vector<16xf32>
      %xor3A_100 = arith.constant 2 : i32
      %xor3A_101 = vector.broadcast %xor3A_100 : i32 to vector<16xi32>
      %xor3A_102 = arith.xori %iota3A, %xor3A_101 : vector<16xi32>
      %lt3A_103 = arith.constant 0 : i32
      %lt3A_104 = vector.broadcast %lt3A_103 : i32 to vector<16xi32>
      %lt3A_105 = arith.cmpi slt, %xor3A_102, %lt3A_104 : vector<16xi32>
      %add3A_106 = arith.constant 16 : i32
      %add3A_107 = vector.broadcast %add3A_106 : i32 to vector<16xi32>
      %add3A_108 = arith.addi %xor3A_102, %add3A_107 : vector<16xi32>
      %select_n3A_109 = arith.select %lt3A_105, %add3A_108, %xor3A_102 : vector<16xi1>, vector<16xi32>
      %broadcast_in_dim3A_110 = vector.shape_cast %select_n3A_109 : vector<16xi32> to vector<16x1xi32>
      %gather3A_111 = vector.shape_cast %broadcast_in_dim3A_110 : vector<16x1xi32> to vector<16xi32>
      %gather3A_112 = tpu.dynamic_gather %add3A_99[%gather3A_111] in [0] : vector<16xf32>, vector<16xi32> -> vector<16xf32>
      %add3A_113 = arith.addf %add3A_99, %gather3A_112 : vector<16xf32>
      %xor3A_114 = arith.constant 1 : i32
      %xor3A_115 = vector.broadcast %xor3A_114 : i32 to vector<16xi32>
      %xor3A_116 = arith.xori %iota3A, %xor3A_115 : vector<16xi32>
      %lt3A_117 = arith.constant 0 : i32
      %lt3A_118 = vector.broadcast %lt3A_117 : i32 to vector<16xi32>
      %lt3A_119 = arith.cmpi slt, %xor3A_116, %lt3A_118 : vector<16xi32>
      %add3A_120 = arith.constant 16 : i32
      %add3A_121 = vector.broadcast %add3A_120 : i32 to vector<16xi32>
      %add3A_122 = arith.addi %xor3A_116, %add3A_121 : vector<16xi32>
      %select_n3A_123 = arith.select %lt3A_119, %add3A_122, %xor3A_116 : vector<16xi1>, vector<16xi32>
      %broadcast_in_dim3A_124 = vector.shape_cast %select_n3A_123 : vector<16xi32> to vector<16x1xi32>
      %gather3A_125 = vector.shape_cast %broadcast_in_dim3A_124 : vector<16x1xi32> to vector<16xi32>
      %gather3A_126 = tpu.dynamic_gather %add3A_113[%gather3A_125] in [0] : vector<16xf32>, vector<16xi32> -> vector<16xf32>
      %add3A_127 = arith.addf %add3A_113, %gather3A_126 : vector<16xf32>
      %add3A_128 = arith.constant 1.000000e-10 : f32
      %add3A_129 = vector.broadcast %add3A_128 : f32 to vector<16xf32>
      %add3A_130 = arith.addf %add3A_127, %add3A_129 : vector<16xf32>
      %div3A = arith.divf %select_n3A_72, %add3A_130 : vector<16xf32>
      %swap3A_131 = arith.constant 0 : index
      %swap3A_132 = tpu.vector_load %arg15[%swap3A_131] {strides = array<i32>} : memref<16xf32, #tpu.memory_space<vmem>>, vector<16xf32>,
      %swap3A_133 = vector.shape_cast %swap3A_132 : vector<16xf32> to vector<16xf32>
      %swap3A_134 = vector.shape_cast %div3A : vector<16xf32> to vector<16xf32>
      tpu.vector_store %arg15[%swap3A_131], %swap3A_134 {strides = array<i32>} : memref<16xf32, #tpu.memory_space<vmem>>, vector<16xf32>,
      %get3A_135 = arith.constant 0 : index
      %get3A_136 = tpu.vector_load %arg11[%get3A_135] {strides = array<i32>} : memref<48xf32, #tpu.memory_space<vmem>>, vector<16xf32>,
      %get3A_137 = vector.shape_cast %get3A_136 : vector<16xf32> to vector<16xf32>
      %get3A_138 = arith.constant 16 : index
      %get3A_139 = tpu.vector_load %arg11[%get3A_138] {strides = array<i32>} : memref<48xf32, #tpu.memory_space<vmem>>, vector<16xf32>,
      %get3A_140 = vector.shape_cast %get3A_139 : vector<16xf32> to vector<16xf32>
      %get3A_141 = arith.constant 32 : index
      %get3A_142 = tpu.vector_load %arg11[%get3A_141] {strides = array<i32>} : memref<48xf32, #tpu.memory_space<vmem>>, vector<16xf32>,
      %get3A_143 = vector.shape_cast %get3A_142 : vector<16xf32> to vector<16xf32>
      %xor3A_144 = arith.constant 8 : i32
      %xor3A_145 = vector.broadcast %xor3A_144 : i32 to vector<16xi32>
      %xor3A_146 = arith.xori %iota3A, %xor3A_145 : vector<16xi32>
      %lt3A_147 = arith.constant 0 : i32
      %lt3A_148 = vector.broadcast %lt3A_147 : i32 to vector<16xi32>
      %lt3A_149 = arith.cmpi slt, %xor3A_146, %lt3A_148 : vector<16xi32>
      %add3A_150 = arith.constant 16 : i32
      %add3A_151 = vector.broadcast %add3A_150 : i32 to vector<16xi32>
      %add3A_152 = arith.addi %xor3A_146, %add3A_151 : vector<16xi32>
      %select_n3A_153 = arith.select %lt3A_149, %add3A_152, %xor3A_146 : vector<16xi1>, vector<16xi32>
      %broadcast_in_dim3A_154 = vector.shape_cast %select_n3A_153 : vector<16xi32> to vector<16x1xi32>
      %gather3A_155 = vector.shape_cast %broadcast_in_dim3A_154 : vector<16x1xi32> to vector<16xi32>
      %gather3A_156 = tpu.dynamic_gather %scan3A_32[%gather3A_155] in [0] : vector<16xf32>, vector<16xi32> -> vector<16xf32>
      %add3A_157 = arith.addf %scan3A_32, %gather3A_156 : vector<16xf32>
      %xor3A_158 = arith.constant 4 : i32
      %xor3A_159 = vector.broadcast %xor3A_158 : i32 to vector<16xi32>
      %xor3A_160 = arith.xori %iota3A, %xor3A_159 : vector<16xi32>
      %lt3A_161 = arith.constant 0 : i32
      %lt3A_162 = vector.broadcast %lt3A_161 : i32 to vector<16xi32>
      %lt3A_163 = arith.cmpi slt, %xor3A_160, %lt3A_162 : vector<16xi32>
      %add3A_164 = arith.constant 16 : i32
      %add3A_165 = vector.broadcast %add3A_164 : i32 to vector<16xi32>
      %add3A_166 = arith.addi %xor3A_160, %add3A_165 : vector<16xi32>
      %select_n3A_167 = arith.select %lt3A_163, %add3A_166, %xor3A_160 : vector<16xi1>, vector<16xi32>
      %broadcast_in_dim3A_168 = vector.shape_cast %select_n3A_167 : vector<16xi32> to vector<16x1xi32>
      %gather3A_169 = vector.shape_cast %broadcast_in_dim3A_168 : vector<16x1xi32> to vector<16xi32>
      %gather3A_170 = tpu.dynamic_gather %add3A_157[%gather3A_169] in [0] : vector<16xf32>, vector<16xi32> -> vector<16xf32>
      %add3A_171 = arith.addf %add3A_157, %gather3A_170 : vector<16xf32>
      %xor3A_172 = arith.constant 2 : i32
      %xor3A_173 = vector.broadcast %xor3A_172 : i32 to vector<16xi32>
      %xor3A_174 = arith.xori %iota3A, %xor3A_173 : vector<16xi32>
      %lt3A_175 = arith.constant 0 : i32
      %lt3A_176 = vector.broadcast %lt3A_175 : i32 to vector<16xi32>
      %lt3A_177 = arith.cmpi slt, %xor3A_174, %lt3A_176 : vector<16xi32>
      %add3A_178 = arith.constant 16 : i32
      %add3A_179 = vector.broadcast %add3A_178 : i32 to vector<16xi32>
      %add3A_180 = arith.addi %xor3A_174, %add3A_179 : vector<16xi32>
      %select_n3A_181 = arith.select %lt3A_177, %add3A_180, %xor3A_174 : vector<16xi1>, vector<16xi32>
      %broadcast_in_dim3A_182 = vector.shape_cast %select_n3A_181 : vector<16xi32> to vector<16x1xi32>
      %gather3A_183 = vector.shape_cast %broadcast_in_dim3A_182 : vector<16x1xi32> to vector<16xi32>
      %gather3A_184 = tpu.dynamic_gather %add3A_171[%gather3A_183] in [0] : vector<16xf32>, vector<16xi32> -> vector<16xf32>
      %add3A_185 = arith.addf %add3A_171, %gather3A_184 : vector<16xf32>
      %xor3A_186 = arith.constant 1 : i32
      %xor3A_187 = vector.broadcast %xor3A_186 : i32 to vector<16xi32>
      %xor3A_188 = arith.xori %iota3A, %xor3A_187 : vector<16xi32>
      %lt3A_189 = arith.constant 0 : i32
      %lt3A_190 = vector.broadcast %lt3A_189 : i32 to vector<16xi32>
      %lt3A_191 = arith.cmpi slt, %xor3A_188, %lt3A_190 : vector<16xi32>
      %add3A_192 = arith.constant 16 : i32
      %add3A_193 = vector.broadcast %add3A_192 : i32 to vector<16xi32>
      %add3A_194 = arith.addi %xor3A_188, %add3A_193 : vector<16xi32>
      %select_n3A_195 = arith.select %lt3A_191, %add3A_194, %xor3A_188 : vector<16xi1>, vector<16xi32>
      %broadcast_in_dim3A_196 = vector.shape_cast %select_n3A_195 : vector<16xi32> to vector<16x1xi32>
      %gather3A_197 = vector.shape_cast %broadcast_in_dim3A_196 : vector<16x1xi32> to vector<16xi32>
      %gather3A_198 = tpu.dynamic_gather %add3A_185[%gather3A_197] in [0] : vector<16xf32>, vector<16xi32> -> vector<16xf32>
      %add3A_199 = arith.addf %add3A_185, %gather3A_198 : vector<16xf32>
      %mul3A_200 = arith.constant -0.693147182 : f32
      %mul3A_201 = vector.broadcast %mul3A_200 : f32 to vector<16xf32>
      %mul3A_202 = arith.mulf %mul3A_201, %add3A_199 : vector<16xf32>
      %neg3A = arith.constant 0.000000e+00 : f32
      %neg3A_203 = vector.broadcast %neg3A : f32 to vector<16xf32>
      %neg3A_204 = arith.subf %neg3A_203, %mul3A_202 : vector<16xf32>
      %sub3A = arith.subf %neg3A_204, %get3A_143 : vector<16xf32>
      %mul3A_205 = arith.mulf %get3A_140, %sub3A : vector<16xf32>
      %neg3A_206 = arith.constant 0.000000e+00 : f32
      %neg3A_207 = vector.broadcast %neg3A_206 : f32 to vector<16xf32>
      %neg3A_208 = arith.subf %neg3A_207, %mul3A_205 : vector<16xf32>
      %exp3A = math.exp %neg3A_208 : vector<16xf32>
      %add3A_209 = arith.constant 1.000000e+00 : f32
      %add3A_210 = vector.broadcast %add3A_209 : f32 to vector<16xf32>
      %add3A_211 = arith.addf %add3A_210, %exp3A : vector<16xf32>
      %div3A_212 = arith.divf %get3A_137, %add3A_211 : vector<16xf32>
      %sub3A_213 = arith.constant 103 : i32
      %sub3A_214 = vector.broadcast %sub3A_213 : i32 to vector<16xi32>
      %sub3A_215 = arith.subi %gather3A_49, %sub3A_214 : vector<16xi32>
      %abs3A = math.absi %sub3A_215 : vector<16xi32>
      %min3A = arith.constant 1 : i32
      %min3A_216 = vector.broadcast %min3A : i32 to vector<16xi32>
      %min3A_217 = arith.minsi %abs3A, %min3A_216 : vector<16xi32>
      %sub3A_218 = arith.constant 1 : i32
      %sub3A_219 = vector.broadcast %sub3A_218 : i32 to vector<16xi32>
      %sub3A_220 = arith.subi %sub3A_219, %min3A_217 : vector<16xi32>
      %convert_element_type3A = arith.sitofp %sub3A_220 : vector<16xi32> to vector<16xf32>
      %mul3A_221 = arith.mulf %div3A_212, %convert_element_type3A : vector<16xf32>
      %get3A_222 = arith.constant 0 : index
      %get3A_223 = tpu.vector_load %arg15[%get3A_222] {strides = array<i32>} : memref<16xf32, #tpu.memory_space<vmem>>, vector<16xf32>,
      %get3A_224 = vector.shape_cast %get3A_223 : vector<16xf32> to vector<16xf32>
      %convert_element_type3A_225 = arith.sitofp %and3A_65 : vector<16xi32> to vector<16xf32>
      %broadcast_in_dim3A_226 = arith.constant 0 : i32
      %broadcast_in_dim3A_227 = vector.broadcast %broadcast_in_dim3A_226 : i32 to vector<16xi32>
      %lt3A_228 = arith.constant 0 : i32
      %lt3A_229 = vector.broadcast %lt3A_228 : i32 to vector<16xi32>
      %lt3A_230 = arith.cmpi slt, %broadcast_in_dim3A_227, %lt3A_229 : vector<16xi32>
      %add3A_231 = arith.constant 16 : i32
      %add3A_232 = vector.broadcast %add3A_231 : i32 to vector<16xi32>
      %add3A_233 = arith.addi %broadcast_in_dim3A_227, %add3A_232 : vector<16xi32>
      %select_n3A_234 = arith.select %lt3A_230, %add3A_233, %broadcast_in_dim3A_227 : vector<16xi1>, vector<16xi32>
      %broadcast_in_dim3A_235 = vector.shape_cast %select_n3A_234 : vector<16xi32> to vector<16x1xi32>
      %gather3A_236 = vector.shape_cast %broadcast_in_dim3A_235 : vector<16x1xi32> to vector<16xi32>
      %gather3A_237 = tpu.dynamic_gather %convert_element_type3A_225[%gather3A_236] in [0] : vector<16xf32>, vector<16xi32> -> vector<16xf32>
      %broadcast_in_dim3A_238 = arith.constant 1 : i32
      %broadcast_in_dim3A_239 = vector.broadcast %broadcast_in_dim3A_238 : i32 to vector<16xi32>
      %lt3A_240 = arith.constant 0 : i32
      %lt3A_241 = vector.broadcast %lt3A_240 : i32 to vector<16xi32>
      %lt3A_242 = arith.cmpi slt, %broadcast_in_dim3A_239, %lt3A_241 : vector<16xi32>
      %add3A_243 = arith.constant 16 : i32
      %add3A_244 = vector.broadcast %add3A_243 : i32 to vector<16xi32>
      %add3A_245 = arith.addi %broadcast_in_dim3A_239, %add3A_244 : vector<16xi32>
      %select_n3A_246 = arith.select %lt3A_242, %add3A_245, %broadcast_in_dim3A_239 : vector<16xi1>, vector<16xi32>
      %broadcast_in_dim3A_247 = vector.shape_cast %select_n3A_246 : vector<16xi32> to vector<16x1xi32>
      %gather3A_248 = vector.shape_cast %broadcast_in_dim3A_247 : vector<16x1xi32> to vector<16xi32>
      %gather3A_249 = tpu.dynamic_gather %convert_element_type3A_225[%gather3A_248] in [0] : vector<16xf32>, vector<16xi32> -> vector<16xf32>
      %broadcast_in_dim3A_250 = arith.constant 2 : i32
      %broadcast_in_dim3A_251 = vector.broadcast %broadcast_in_dim3A_250 : i32 to vector<16xi32>
      %lt3A_252 = arith.constant 0 : i32
      %lt3A_253 = vector.broadcast %lt3A_252 : i32 to vector<16xi32>
      %lt3A_254 = arith.cmpi slt, %broadcast_in_dim3A_251, %lt3A_253 : vector<16xi32>
      %add3A_255 = arith.constant 16 : i32
      %add3A_256 = vector.broadcast %add3A_255 : i32 to vector<16xi32>
      %add3A_257 = arith.addi %broadcast_in_dim3A_251, %add3A_256 : vector<16xi32>
      %select_n3A_258 = arith.select %lt3A_254, %add3A_257, %broadcast_in_dim3A_251 : vector<16xi1>, vector<16xi32>
      %broadcast_in_dim3A_259 = vector.shape_cast %select_n3A_258 : vector<16xi32> to vector<16x1xi32>
      %gather3A_260 = vector.shape_cast %broadcast_in_dim3A_259 : vector<16x1xi32> to vector<16xi32>
      %gather3A_261 = tpu.dynamic_gather %convert_element_type3A_225[%gather3A_260] in [0] : vector<16xf32>, vector<16xi32> -> vector<16xf32>
      %broadcast_in_dim3A_262 = arith.constant 3 : i32
      %broadcast_in_dim3A_263 = vector.broadcast %broadcast_in_dim3A_262 : i32 to vector<16xi32>
      %lt3A_264 = arith.constant 0 : i32
      %lt3A_265 = vector.broadcast %lt3A_264 : i32 to vector<16xi32>
      %lt3A_266 = arith.cmpi slt, %broadcast_in_dim3A_263, %lt3A_265 : vector<16xi32>
      %add3A_267 = arith.constant 16 : i32
      %add3A_268 = vector.broadcast %add3A_267 : i32 to vector<16xi32>
      %add3A_269 = arith.addi %broadcast_in_dim3A_263, %add3A_268 : vector<16xi32>
      %select_n3A_270 = arith.select %lt3A_266, %add3A_269, %broadcast_in_dim3A_263 : vector<16xi1>, vector<16xi32>
      %broadcast_in_dim3A_271 = vector.shape_cast %select_n3A_270 : vector<16xi32> to vector<16x1xi32>
      %gather3A_272 = vector.shape_cast %broadcast_in_dim3A_271 : vector<16x1xi32> to vector<16xi32>
      %gather3A_273 = tpu.dynamic_gather %convert_element_type3A_225[%gather3A_272] in [0] : vector<16xf32>, vector<16xi32> -> vector<16xf32>
      %broadcast_in_dim3A_274 = arith.constant 4 : i32
      %broadcast_in_dim3A_275 = vector.broadcast %broadcast_in_dim3A_274 : i32 to vector<16xi32>
      %lt3A_276 = arith.constant 0 : i32
      %lt3A_277 = vector.broadcast %lt3A_276 : i32 to vector<16xi32>
      %lt3A_278 = arith.cmpi slt, %broadcast_in_dim3A_275, %lt3A_277 : vector<16xi32>
      %add3A_279 = arith.constant 16 : i32
      %add3A_280 = vector.broadcast %add3A_279 : i32 to vector<16xi32>
      %add3A_281 = arith.addi %broadcast_in_dim3A_275, %add3A_280 : vector<16xi32>
      %select_n3A_282 = arith.select %lt3A_278, %add3A_281, %broadcast_in_dim3A_275 : vector<16xi1>, vector<16xi32>
      %broadcast_in_dim3A_283 = vector.shape_cast %select_n3A_282 : vector<16xi32> to vector<16x1xi32>
      %gather3A_284 = vector.shape_cast %broadcast_in_dim3A_283 : vector<16x1xi32> to vector<16xi32>
      %gather3A_285 = tpu.dynamic_gather %convert_element_type3A_225[%gather3A_284] in [0] : vector<16xf32>, vector<16xi32> -> vector<16xf32>
      %broadcast_in_dim3A_286 = arith.constant 5 : i32
      %broadcast_in_dim3A_287 = vector.broadcast %broadcast_in_dim3A_286 : i32 to vector<16xi32>
      %lt3A_288 = arith.constant 0 : i32
      %lt3A_289 = vector.broadcast %lt3A_288 : i32 to vector<16xi32>
      %lt3A_290 = arith.cmpi slt, %broadcast_in_dim3A_287, %lt3A_289 : vector<16xi32>
      %add3A_291 = arith.constant 16 : i32
      %add3A_292 = vector.broadcast %add3A_291 : i32 to vector<16xi32>
      %add3A_293 = arith.addi %broadcast_in_dim3A_287, %add3A_292 : vector<16xi32>
      %select_n3A_294 = arith.select %lt3A_290, %add3A_293, %broadcast_in_dim3A_287 : vector<16xi1>, vector<16xi32>
      %broadcast_in_dim3A_295 = vector.shape_cast %select_n3A_294 : vector<16xi32> to vector<16x1xi32>
      %gather3A_296 = vector.shape_cast %broadcast_in_dim3A_295 : vector<16x1xi32> to vector<16xi32>
      %gather3A_297 = tpu.dynamic_gather %convert_element_type3A_225[%gather3A_296] in [0] : vector<16xf32>, vector<16xi32> -> vector<16xf32>
      %broadcast_in_dim3A_298 = arith.constant 6 : i32
      %broadcast_in_dim3A_299 = vector.broadcast %broadcast_in_dim3A_298 : i32 to vector<16xi32>
      %lt3A_300 = arith.constant 0 : i32
      %lt3A_301 = vector.broadcast %lt3A_300 : i32 to vector<16xi32>
      %lt3A_302 = arith.cmpi slt, %broadcast_in_dim3A_299, %lt3A_301 : vector<16xi32>
      %add3A_303 = arith.constant 16 : i32
      %add3A_304 = vector.broadcast %add3A_303 : i32 to vector<16xi32>
      %add3A_305 = arith.addi %broadcast_in_dim3A_299, %add3A_304 : vector<16xi32>
      %select_n3A_306 = arith.select %lt3A_302, %add3A_305, %broadcast_in_dim3A_299 : vector<16xi1>, vector<16xi32>
      %broadcast_in_dim3A_307 = vector.shape_cast %select_n3A_306 : vector<16xi32> to vector<16x1xi32>
      %gather3A_308 = vector.shape_cast %broadcast_in_dim3A_307 : vector<16x1xi32> to vector<16xi32>
      %gather3A_309 = tpu.dynamic_gather %convert_element_type3A_225[%gather3A_308] in [0] : vector<16xf32>, vector<16xi32> -> vector<16xf32>
      %broadcast_in_dim3A_310 = arith.constant 7 : i32
      %broadcast_in_dim3A_311 = vector.broadcast %broadcast_in_dim3A_310 : i32 to vector<16xi32>
      %lt3A_312 = arith.constant 0 : i32
      %lt3A_313 = vector.broadcast %lt3A_312 : i32 to vector<16xi32>
      %lt3A_314 = arith.cmpi slt, %broadcast_in_dim3A_311, %lt3A_313 : vector<16xi32>
      %add3A_315 = arith.constant 16 : i32
      %add3A_316 = vector.broadcast %add3A_315 : i32 to vector<16xi32>
      %add3A_317 = arith.addi %broadcast_in_dim3A_311, %add3A_316 : vector<16xi32>
      %select_n3A_318 = arith.select %lt3A_314, %add3A_317, %broadcast_in_dim3A_311 : vector<16xi1>, vector<16xi32>
      %broadcast_in_dim3A_319 = vector.shape_cast %select_n3A_318 : vector<16xi32> to vector<16x1xi32>
      %gather3A_320 = vector.shape_cast %broadcast_in_dim3A_319 : vector<16x1xi32> to vector<16xi32>
      %gather3A_321 = tpu.dynamic_gather %convert_element_type3A_225[%gather3A_320] in [0] : vector<16xf32>, vector<16xi32> -> vector<16xf32>
      %broadcast_in_dim3A_322 = arith.constant 8 : i32
      %broadcast_in_dim3A_323 = vector.broadcast %broadcast_in_dim3A_322 : i32 to vector<16xi32>
      %lt3A_324 = arith.constant 0 : i32
      %lt3A_325 = vector.broadcast %lt3A_324 : i32 to vector<16xi32>
      %lt3A_326 = arith.cmpi slt, %broadcast_in_dim3A_323, %lt3A_325 : vector<16xi32>
      %add3A_327 = arith.constant 16 : i32
      %add3A_328 = vector.broadcast %add3A_327 : i32 to vector<16xi32>
      %add3A_329 = arith.addi %broadcast_in_dim3A_323, %add3A_328 : vector<16xi32>
      %select_n3A_330 = arith.select %lt3A_326, %add3A_329, %broadcast_in_dim3A_323 : vector<16xi1>, vector<16xi32>
      %broadcast_in_dim3A_331 = vector.shape_cast %select_n3A_330 : vector<16xi32> to vector<16x1xi32>
      %gather3A_332 = vector.shape_cast %broadcast_in_dim3A_331 : vector<16x1xi32> to vector<16xi32>
      %gather3A_333 = tpu.dynamic_gather %convert_element_type3A_225[%gather3A_332] in [0] : vector<16xf32>, vector<16xi32> -> vector<16xf32>
      %get3A_334 = arith.constant 8 : i32
      %get3A_335 = arith.index_cast %get3A_334 : i32 to index
      %get3A_336 = arith.constant 0 : index
      %get3A_337 = tpu.vector_load %arg13[%get3A_335, %get3A_336] {strides = array<i32>} : memref<16x128xf32, #tpu.memory_space<vmem>>, vector<1x16xf32>,
      %get3A_338 = vector.shape_cast %get3A_337 : vector<1x16xf32> to vector<16xf32>
      %get3A_339 = arith.constant 8 : i32
      %get3A_340 = arith.index_cast %get3A_339 : i32 to index
      %get3A_341 = arith.constant 64 : index
      %get3A_342 = tpu.vector_load %arg13[%get3A_340, %get3A_341] {strides = array<i32>} : memref<16x128xf32, #tpu.memory_space<vmem>>, vector<1x16xf32>,
      %get3A_343 = vector.shape_cast %get3A_342 : vector<1x16xf32> to vector<16xf32>
      %sub3A_344 = arith.subf %get3A_343, %get3A_338 : vector<16xf32>
      %mul3A_345 = arith.mulf %gather3A_333, %sub3A_344 : vector<16xf32>
      %add3A_346 = arith.addf %get3A_338, %mul3A_345 : vector<16xf32>
      %broadcast_in_dim3A_347 = arith.constant 0.000000e+00 : f32
      %broadcast_in_dim3A_348 = vector.broadcast %broadcast_in_dim3A_347 : f32 to vector<16xf32>
      %slice3A = vector.extract_strided_slice %get3A_224 {offsets = [0], sizes = [1], strides = [1]} : vector<16xf32> to vector<1xf32>
      %squeeze3A = vector.extract %slice3A[0] : f32 from vector<1xf32>
      %get3A_349 = arith.constant 0 : i32
      %get3A_350 = arith.index_cast %get3A_349 : i32 to index
      %get3A_351 = arith.constant 0 : index
      %get3A_352 = tpu.vector_load %arg13[%get3A_350, %get3A_351] {strides = array<i32>} : memref<16x128xf32, #tpu.memory_space<vmem>>, vector<1x16xf32>,
      %get3A_353 = vector.shape_cast %get3A_352 : vector<1x16xf32> to vector<16xf32>
      %get3A_354 = arith.constant 0 : i32
      %get3A_355 = arith.index_cast %get3A_354 : i32 to index
      %get3A_356 = arith.constant 64 : index
      %get3A_357 = tpu.vector_load %arg13[%get3A_355, %get3A_356] {strides = array<i32>} : memref<16x128xf32, #tpu.memory_space<vmem>>, vector<1x16xf32>,
      %get3A_358 = vector.shape_cast %get3A_357 : vector<1x16xf32> to vector<16xf32>
      %sub3A_359 = arith.subf %get3A_358, %get3A_353 : vector<16xf32>
      %mul3A_360 = arith.mulf %gather3A_237, %sub3A_359 : vector<16xf32>
      %add3A_361 = arith.addf %get3A_353, %mul3A_360 : vector<16xf32>
      %mul3A_362 = vector.broadcast %squeeze3A : f32 to vector<16xf32>
      %mul3A_363 = arith.mulf %mul3A_362, %add3A_361 : vector<16xf32>
      %add3A_364 = arith.addf %broadcast_in_dim3A_348, %mul3A_363 : vector<16xf32>
      %slice3A_365 = vector.extract_strided_slice %get3A_224 {offsets = [1], sizes = [1], strides = [1]} : vector<16xf32> to vector<1xf32>
      %squeeze3A_366 = vector.extract %slice3A_365[0] : f32 from vector<1xf32>
      %get3A_367 = arith.constant 1 : i32
      %get3A_368 = arith.index_cast %get3A_367 : i32 to index
      %get3A_369 = arith.constant 0 : index
      %get3A_370 = tpu.vector_load %arg13[%get3A_368, %get3A_369] {strides = array<i32>} : memref<16x128xf32, #tpu.memory_space<vmem>>, vector<1x16xf32>,
      %get3A_371 = vector.shape_cast %get3A_370 : vector<1x16xf32> to vector<16xf32>
      %get3A_372 = arith.constant 1 : i32
      %get3A_373 = arith.index_cast %get3A_372 : i32 to index
      %get3A_374 = arith.constant 64 : index
      %get3A_375 = tpu.vector_load %arg13[%get3A_373, %get3A_374] {strides = array<i32>} : memref<16x128xf32, #tpu.memory_space<vmem>>, vector<1x16xf32>,
      %get3A_376 = vector.shape_cast %get3A_375 : vector<1x16xf32> to vector<16xf32>
      %sub3A_377 = arith.subf %get3A_376, %get3A_371 : vector<16xf32>
      %mul3A_378 = arith.mulf %gather3A_249, %sub3A_377 : vector<16xf32>
      %add3A_379 = arith.addf %get3A_371, %mul3A_378 : vector<16xf32>
      %mul3A_380 = vector.broadcast %squeeze3A_366 : f32 to vector<16xf32>
      %mul3A_381 = arith.mulf %mul3A_380, %add3A_379 : vector<16xf32>
      %add3A_382 = arith.addf %add3A_364, %mul3A_381 : vector<16xf32>
      %slice3A_383 = vector.extract_strided_slice %get3A_224 {offsets = [2], sizes = [1], strides = [1]} : vector<16xf32> to vector<1xf32>
      %squeeze3A_384 = vector.extract %slice3A_383[0] : f32 from vector<1xf32>
      %get3A_385 = arith.constant 2 : i32
      %get3A_386 = arith.index_cast %get3A_385 : i32 to index
      %get3A_387 = arith.constant 0 : index
      %get3A_388 = tpu.vector_load %arg13[%get3A_386, %get3A_387] {strides = array<i32>} : memref<16x128xf32, #tpu.memory_space<vmem>>, vector<1x16xf32>,
      %get3A_389 = vector.shape_cast %get3A_388 : vector<1x16xf32> to vector<16xf32>
      %get3A_390 = arith.constant 2 : i32
      %get3A_391 = arith.index_cast %get3A_390 : i32 to index
      %get3A_392 = arith.constant 64 : index
      %get3A_393 = tpu.vector_load %arg13[%get3A_391, %get3A_392] {strides = array<i32>} : memref<16x128xf32, #tpu.memory_space<vmem>>, vector<1x16xf32>,
      %get3A_394 = vector.shape_cast %get3A_393 : vector<1x16xf32> to vector<16xf32>
      %sub3A_395 = arith.subf %get3A_394, %get3A_389 : vector<16xf32>
      %mul3A_396 = arith.mulf %gather3A_261, %sub3A_395 : vector<16xf32>
      %add3A_397 = arith.addf %get3A_389, %mul3A_396 : vector<16xf32>
      %mul3A_398 = vector.broadcast %squeeze3A_384 : f32 to vector<16xf32>
      %mul3A_399 = arith.mulf %mul3A_398, %add3A_397 : vector<16xf32>
      %add3A_400 = arith.addf %add3A_382, %mul3A_399 : vector<16xf32>
      %slice3A_401 = vector.extract_strided_slice %get3A_224 {offsets = [3], sizes = [1], strides = [1]} : vector<16xf32> to vector<1xf32>
      %squeeze3A_402 = vector.extract %slice3A_401[0] : f32 from vector<1xf32>
      %get3A_403 = arith.constant 3 : i32
      %get3A_404 = arith.index_cast %get3A_403 : i32 to index
      %get3A_405 = arith.constant 0 : index
      %get3A_406 = tpu.vector_load %arg13[%get3A_404, %get3A_405] {strides = array<i32>} : memref<16x128xf32, #tpu.memory_space<vmem>>, vector<1x16xf32>,
      %get3A_407 = vector.shape_cast %get3A_406 : vector<1x16xf32> to vector<16xf32>
      %get3A_408 = arith.constant 3 : i32
      %get3A_409 = arith.index_cast %get3A_408 : i32 to index
      %get3A_410 = arith.constant 64 : index
      %get3A_411 = tpu.vector_load %arg13[%get3A_409, %get3A_410] {strides = array<i32>} : memref<16x128xf32, #tpu.memory_space<vmem>>, vector<1x16xf32>,
      %get3A_412 = vector.shape_cast %get3A_411 : vector<1x16xf32> to vector<16xf32>
      %sub3A_413 = arith.subf %get3A_412, %get3A_407 : vector<16xf32>
      %mul3A_414 = arith.mulf %gather3A_273, %sub3A_413 : vector<16xf32>
      %add3A_415 = arith.addf %get3A_407, %mul3A_414 : vector<16xf32>
      %mul3A_416 = vector.broadcast %squeeze3A_402 : f32 to vector<16xf32>
      %mul3A_417 = arith.mulf %mul3A_416, %add3A_415 : vector<16xf32>
      %add3A_418 = arith.addf %add3A_400, %mul3A_417 : vector<16xf32>
      %slice3A_419 = vector.extract_strided_slice %get3A_224 {offsets = [4], sizes = [1], strides = [1]} : vector<16xf32> to vector<1xf32>
      %squeeze3A_420 = vector.extract %slice3A_419[0] : f32 from vector<1xf32>
      %get3A_421 = arith.constant 4 : i32
      %get3A_422 = arith.index_cast %get3A_421 : i32 to index
      %get3A_423 = arith.constant 0 : index
      %get3A_424 = tpu.vector_load %arg13[%get3A_422, %get3A_423] {strides = array<i32>} : memref<16x128xf32, #tpu.memory_space<vmem>>, vector<1x16xf32>,
      %get3A_425 = vector.shape_cast %get3A_424 : vector<1x16xf32> to vector<16xf32>
      %get3A_426 = arith.constant 4 : i32
      %get3A_427 = arith.index_cast %get3A_426 : i32 to index
      %get3A_428 = arith.constant 64 : index
      %get3A_429 = tpu.vector_load %arg13[%get3A_427, %get3A_428] {strides = array<i32>} : memref<16x128xf32, #tpu.memory_space<vmem>>, vector<1x16xf32>,
      %get3A_430 = vector.shape_cast %get3A_429 : vector<1x16xf32> to vector<16xf32>
      %sub3A_431 = arith.subf %get3A_430, %get3A_425 : vector<16xf32>
      %mul3A_432 = arith.mulf %gather3A_285, %sub3A_431 : vector<16xf32>
      %add3A_433 = arith.addf %get3A_425, %mul3A_432 : vector<16xf32>
      %mul3A_434 = vector.broadcast %squeeze3A_420 : f32 to vector<16xf32>
      %mul3A_435 = arith.mulf %mul3A_434, %add3A_433 : vector<16xf32>
      %add3A_436 = arith.addf %add3A_418, %mul3A_435 : vector<16xf32>
      %slice3A_437 = vector.extract_strided_slice %get3A_224 {offsets = [5], sizes = [1], strides = [1]} : vector<16xf32> to vector<1xf32>
      %squeeze3A_438 = vector.extract %slice3A_437[0] : f32 from vector<1xf32>
      %get3A_439 = arith.constant 5 : i32
      %get3A_440 = arith.index_cast %get3A_439 : i32 to index
      %get3A_441 = arith.constant 0 : index
      %get3A_442 = tpu.vector_load %arg13[%get3A_440, %get3A_441] {strides = array<i32>} : memref<16x128xf32, #tpu.memory_space<vmem>>, vector<1x16xf32>,
      %get3A_443 = vector.shape_cast %get3A_442 : vector<1x16xf32> to vector<16xf32>
      %get3A_444 = arith.constant 5 : i32
      %get3A_445 = arith.index_cast %get3A_444 : i32 to index
      %get3A_446 = arith.constant 64 : index
      %get3A_447 = tpu.vector_load %arg13[%get3A_445, %get3A_446] {strides = array<i32>} : memref<16x128xf32, #tpu.memory_space<vmem>>, vector<1x16xf32>,
      %get3A_448 = vector.shape_cast %get3A_447 : vector<1x16xf32> to vector<16xf32>
      %sub3A_449 = arith.subf %get3A_448, %get3A_443 : vector<16xf32>
      %mul3A_450 = arith.mulf %gather3A_297, %sub3A_449 : vector<16xf32>
      %add3A_451 = arith.addf %get3A_443, %mul3A_450 : vector<16xf32>
      %mul3A_452 = vector.broadcast %squeeze3A_438 : f32 to vector<16xf32>
      %mul3A_453 = arith.mulf %mul3A_452, %add3A_451 : vector<16xf32>
      %add3A_454 = arith.addf %add3A_436, %mul3A_453 : vector<16xf32>
      %slice3A_455 = vector.extract_strided_slice %get3A_224 {offsets = [6], sizes = [1], strides = [1]} : vector<16xf32> to vector<1xf32>
      %squeeze3A_456 = vector.extract %slice3A_455[0] : f32 from vector<1xf32>
      %get3A_457 = arith.constant 6 : i32
      %get3A_458 = arith.index_cast %get3A_457 : i32 to index
      %get3A_459 = arith.constant 0 : index
      %get3A_460 = tpu.vector_load %arg13[%get3A_458, %get3A_459] {strides = array<i32>} : memref<16x128xf32, #tpu.memory_space<vmem>>, vector<1x16xf32>,
      %get3A_461 = vector.shape_cast %get3A_460 : vector<1x16xf32> to vector<16xf32>
      %get3A_462 = arith.constant 6 : i32
      %get3A_463 = arith.index_cast %get3A_462 : i32 to index
      %get3A_464 = arith.constant 64 : index
      %get3A_465 = tpu.vector_load %arg13[%get3A_463, %get3A_464] {strides = array<i32>} : memref<16x128xf32, #tpu.memory_space<vmem>>, vector<1x16xf32>,
      %get3A_466 = vector.shape_cast %get3A_465 : vector<1x16xf32> to vector<16xf32>
      %sub3A_467 = arith.subf %get3A_466, %get3A_461 : vector<16xf32>
      %mul3A_468 = arith.mulf %gather3A_309, %sub3A_467 : vector<16xf32>
      %add3A_469 = arith.addf %get3A_461, %mul3A_468 : vector<16xf32>
      %mul3A_470 = vector.broadcast %squeeze3A_456 : f32 to vector<16xf32>
      %mul3A_471 = arith.mulf %mul3A_470, %add3A_469 : vector<16xf32>
      %add3A_472 = arith.addf %add3A_454, %mul3A_471 : vector<16xf32>
      %slice3A_473 = vector.extract_strided_slice %get3A_224 {offsets = [7], sizes = [1], strides = [1]} : vector<16xf32> to vector<1xf32>
      %squeeze3A_474 = vector.extract %slice3A_473[0] : f32 from vector<1xf32>
      %get3A_475 = arith.constant 7 : i32
      %get3A_476 = arith.index_cast %get3A_475 : i32 to index
      %get3A_477 = arith.constant 0 : index
      %get3A_478 = tpu.vector_load %arg13[%get3A_476, %get3A_477] {strides = array<i32>} : memref<16x128xf32, #tpu.memory_space<vmem>>, vector<1x16xf32>,
      %get3A_479 = vector.shape_cast %get3A_478 : vector<1x16xf32> to vector<16xf32>
      %get3A_480 = arith.constant 7 : i32
      %get3A_481 = arith.index_cast %get3A_480 : i32 to index
      %get3A_482 = arith.constant 64 : index
      %get3A_483 = tpu.vector_load %arg13[%get3A_481, %get3A_482] {strides = array<i32>} : memref<16x128xf32, #tpu.memory_space<vmem>>, vector<1x16xf32>,
      %get3A_484 = vector.shape_cast %get3A_483 : vector<1x16xf32> to vector<16xf32>
      %sub3A_485 = arith.subf %get3A_484, %get3A_479 : vector<16xf32>
      %mul3A_486 = arith.mulf %gather3A_321, %sub3A_485 : vector<16xf32>
      %add3A_487 = arith.addf %get3A_479, %mul3A_486 : vector<16xf32>
      %mul3A_488 = vector.broadcast %squeeze3A_474 : f32 to vector<16xf32>
      %mul3A_489 = arith.mulf %mul3A_488, %add3A_487 : vector<16xf32>
      %add3A_490 = arith.addf %add3A_472, %mul3A_489 : vector<16xf32>
      %sub3A_491 = arith.subf %add3A_490, %add3A_346 : vector<16xf32>
      %mul3A_492 = arith.mulf %mul3A_221, %sub3A_491 : vector<16xf32>
      %add3A_493 = arith.addf %add3A_346, %mul3A_492 : vector<16xf32>
      %swap3A_494 = arith.constant 0 : index
      %swap3A_495 = tpu.vector_load %arg14[%swap3A_494] {strides = array<i32>} : memref<64xf32, #tpu.memory_space<vmem>>, vector<16xf32>,
      %swap3A_496 = vector.shape_cast %swap3A_495 : vector<16xf32> to vector<16xf32>
      %swap3A_497 = vector.shape_cast %add3A_493 : vector<16xf32> to vector<16xf32>
      tpu.vector_store %arg14[%swap3A_494], %swap3A_497 {strides = array<i32>} : memref<64xf32, #tpu.memory_space<vmem>>, vector<16xf32>,
      %get3A_498 = arith.constant 8 : i32
      %get3A_499 = arith.index_cast %get3A_498 : i32 to index
      %get3A_500 = arith.constant 16 : index
      %get3A_501 = tpu.vector_load %arg13[%get3A_499, %get3A_500] {strides = array<i32>} : memref<16x128xf32, #tpu.memory_space<vmem>>, vector<1x16xf32>,
      %get3A_502 = vector.shape_cast %get3A_501 : vector<1x16xf32> to vector<16xf32>
      %get3A_503 = arith.constant 8 : i32
      %get3A_504 = arith.index_cast %get3A_503 : i32 to index
      %get3A_505 = arith.constant 80 : index
      %get3A_506 = tpu.vector_load %arg13[%get3A_504, %get3A_505] {strides = array<i32>} : memref<16x128xf32, #tpu.memory_space<vmem>>, vector<1x16xf32>,
      %get3A_507 = vector.shape_cast %get3A_506 : vector<1x16xf32> to vector<16xf32>
      %sub3A_508 = arith.subf %get3A_507, %get3A_502 : vector<16xf32>
      %mul3A_509 = arith.mulf %gather3A_333, %sub3A_508 : vector<16xf32>
      %add3A_510 = arith.addf %get3A_502, %mul3A_509 : vector<16xf32>
      %broadcast_in_dim3A_511 = arith.constant 0.000000e+00 : f32
      %broadcast_in_dim3A_512 = vector.broadcast %broadcast_in_dim3A_511 : f32 to vector<16xf32>
      %slice3A_513 = vector.extract_strided_slice %get3A_224 {offsets = [0], sizes = [1], strides = [1]} : vector<16xf32> to vector<1xf32>
      %squeeze3A_514 = vector.extract %slice3A_513[0] : f32 from vector<1xf32>
      %get3A_515 = arith.constant 0 : i32
      %get3A_516 = arith.index_cast %get3A_515 : i32 to index
      %get3A_517 = arith.constant 16 : index
      %get3A_518 = tpu.vector_load %arg13[%get3A_516, %get3A_517] {strides = array<i32>} : memref<16x128xf32, #tpu.memory_space<vmem>>, vector<1x16xf32>,
      %get3A_519 = vector.shape_cast %get3A_518 : vector<1x16xf32> to vector<16xf32>
      %get3A_520 = arith.constant 0 : i32
      %get3A_521 = arith.index_cast %get3A_520 : i32 to index
      %get3A_522 = arith.constant 80 : index
      %get3A_523 = tpu.vector_load %arg13[%get3A_521, %get3A_522] {strides = array<i32>} : memref<16x128xf32, #tpu.memory_space<vmem>>, vector<1x16xf32>,
      %get3A_524 = vector.shape_cast %get3A_523 : vector<1x16xf32> to vector<16xf32>
      %sub3A_525 = arith.subf %get3A_524, %get3A_519 : vector<16xf32>
      %mul3A_526 = arith.mulf %gather3A_237, %sub3A_525 : vector<16xf32>
      %add3A_527 = arith.addf %get3A_519, %mul3A_526 : vector<16xf32>
      %mul3A_528 = vector.broadcast %squeeze3A_514 : f32 to vector<16xf32>
      %mul3A_529 = arith.mulf %mul3A_528, %add3A_527 : vector<16xf32>
      %add3A_530 = arith.addf %broadcast_in_dim3A_512, %mul3A_529 : vector<16xf32>
      %slice3A_531 = vector.extract_strided_slice %get3A_224 {offsets = [1], sizes = [1], strides = [1]} : vector<16xf32> to vector<1xf32>
      %squeeze3A_532 = vector.extract %slice3A_531[0] : f32 from vector<1xf32>
      %get3A_533 = arith.constant 1 : i32
      %get3A_534 = arith.index_cast %get3A_533 : i32 to index
      %get3A_535 = arith.constant 16 : index
      %get3A_536 = tpu.vector_load %arg13[%get3A_534, %get3A_535] {strides = array<i32>} : memref<16x128xf32, #tpu.memory_space<vmem>>, vector<1x16xf32>,
      %get3A_537 = vector.shape_cast %get3A_536 : vector<1x16xf32> to vector<16xf32>
      %get3A_538 = arith.constant 1 : i32
      %get3A_539 = arith.index_cast %get3A_538 : i32 to index
      %get3A_540 = arith.constant 80 : index
      %get3A_541 = tpu.vector_load %arg13[%get3A_539, %get3A_540] {strides = array<i32>} : memref<16x128xf32, #tpu.memory_space<vmem>>, vector<1x16xf32>,
      %get3A_542 = vector.shape_cast %get3A_541 : vector<1x16xf32> to vector<16xf32>
      %sub3A_543 = arith.subf %get3A_542, %get3A_537 : vector<16xf32>
      %mul3A_544 = arith.mulf %gather3A_249, %sub3A_543 : vector<16xf32>
      %add3A_545 = arith.addf %get3A_537, %mul3A_544 : vector<16xf32>
      %mul3A_546 = vector.broadcast %squeeze3A_532 : f32 to vector<16xf32>
      %mul3A_547 = arith.mulf %mul3A_546, %add3A_545 : vector<16xf32>
      %add3A_548 = arith.addf %add3A_530, %mul3A_547 : vector<16xf32>
      %slice3A_549 = vector.extract_strided_slice %get3A_224 {offsets = [2], sizes = [1], strides = [1]} : vector<16xf32> to vector<1xf32>
      %squeeze3A_550 = vector.extract %slice3A_549[0] : f32 from vector<1xf32>
      %get3A_551 = arith.constant 2 : i32
      %get3A_552 = arith.index_cast %get3A_551 : i32 to index
      %get3A_553 = arith.constant 16 : index
      %get3A_554 = tpu.vector_load %arg13[%get3A_552, %get3A_553] {strides = array<i32>} : memref<16x128xf32, #tpu.memory_space<vmem>>, vector<1x16xf32>,
      %get3A_555 = vector.shape_cast %get3A_554 : vector<1x16xf32> to vector<16xf32>
      %get3A_556 = arith.constant 2 : i32
      %get3A_557 = arith.index_cast %get3A_556 : i32 to index
      %get3A_558 = arith.constant 80 : index
      %get3A_559 = tpu.vector_load %arg13[%get3A_557, %get3A_558] {strides = array<i32>} : memref<16x128xf32, #tpu.memory_space<vmem>>, vector<1x16xf32>,
      %get3A_560 = vector.shape_cast %get3A_559 : vector<1x16xf32> to vector<16xf32>
      %sub3A_561 = arith.subf %get3A_560, %get3A_555 : vector<16xf32>
      %mul3A_562 = arith.mulf %gather3A_261, %sub3A_561 : vector<16xf32>
      %add3A_563 = arith.addf %get3A_555, %mul3A_562 : vector<16xf32>
      %mul3A_564 = vector.broadcast %squeeze3A_550 : f32 to vector<16xf32>
      %mul3A_565 = arith.mulf %mul3A_564, %add3A_563 : vector<16xf32>
      %add3A_566 = arith.addf %add3A_548, %mul3A_565 : vector<16xf32>
      %slice3A_567 = vector.extract_strided_slice %get3A_224 {offsets = [3], sizes = [1], strides = [1]} : vector<16xf32> to vector<1xf32>
      %squeeze3A_568 = vector.extract %slice3A_567[0] : f32 from vector<1xf32>
      %get3A_569 = arith.constant 3 : i32
      %get3A_570 = arith.index_cast %get3A_569 : i32 to index
      %get3A_571 = arith.constant 16 : index
      %get3A_572 = tpu.vector_load %arg13[%get3A_570, %get3A_571] {strides = array<i32>} : memref<16x128xf32, #tpu.memory_space<vmem>>, vector<1x16xf32>,
      %get3A_573 = vector.shape_cast %get3A_572 : vector<1x16xf32> to vector<16xf32>
      %get3A_574 = arith.constant 3 : i32
      %get3A_575 = arith.index_cast %get3A_574 : i32 to index
      %get3A_576 = arith.constant 80 : index
      %get3A_577 = tpu.vector_load %arg13[%get3A_575, %get3A_576] {strides = array<i32>} : memref<16x128xf32, #tpu.memory_space<vmem>>, vector<1x16xf32>,
      %get3A_578 = vector.shape_cast %get3A_577 : vector<1x16xf32> to vector<16xf32>
      %sub3A_579 = arith.subf %get3A_578, %get3A_573 : vector<16xf32>
      %mul3A_580 = arith.mulf %gather3A_273, %sub3A_579 : vector<16xf32>
      %add3A_581 = arith.addf %get3A_573, %mul3A_580 : vector<16xf32>
      %mul3A_582 = vector.broadcast %squeeze3A_568 : f32 to vector<16xf32>
      %mul3A_583 = arith.mulf %mul3A_582, %add3A_581 : vector<16xf32>
      %add3A_584 = arith.addf %add3A_566, %mul3A_583 : vector<16xf32>
      %slice3A_585 = vector.extract_strided_slice %get3A_224 {offsets = [4], sizes = [1], strides = [1]} : vector<16xf32> to vector<1xf32>
      %squeeze3A_586 = vector.extract %slice3A_585[0] : f32 from vector<1xf32>
      %get3A_587 = arith.constant 4 : i32
      %get3A_588 = arith.index_cast %get3A_587 : i32 to index
      %get3A_589 = arith.constant 16 : index
      %get3A_590 = tpu.vector_load %arg13[%get3A_588, %get3A_589] {strides = array<i32>} : memref<16x128xf32, #tpu.memory_space<vmem>>, vector<1x16xf32>,
      %get3A_591 = vector.shape_cast %get3A_590 : vector<1x16xf32> to vector<16xf32>
      %get3A_592 = arith.constant 4 : i32
      %get3A_593 = arith.index_cast %get3A_592 : i32 to index
      %get3A_594 = arith.constant 80 : index
      %get3A_595 = tpu.vector_load %arg13[%get3A_593, %get3A_594] {strides = array<i32>} : memref<16x128xf32, #tpu.memory_space<vmem>>, vector<1x16xf32>,
      %get3A_596 = vector.shape_cast %get3A_595 : vector<1x16xf32> to vector<16xf32>
      %sub3A_597 = arith.subf %get3A_596, %get3A_591 : vector<16xf32>
      %mul3A_598 = arith.mulf %gather3A_285, %sub3A_597 : vector<16xf32>
      %add3A_599 = arith.addf %get3A_591, %mul3A_598 : vector<16xf32>
      %mul3A_600 = vector.broadcast %squeeze3A_586 : f32 to vector<16xf32>
      %mul3A_601 = arith.mulf %mul3A_600, %add3A_599 : vector<16xf32>
      %add3A_602 = arith.addf %add3A_584, %mul3A_601 : vector<16xf32>
      %slice3A_603 = vector.extract_strided_slice %get3A_224 {offsets = [5], sizes = [1], strides = [1]} : vector<16xf32> to vector<1xf32>
      %squeeze3A_604 = vector.extract %slice3A_603[0] : f32 from vector<1xf32>
      %get3A_605 = arith.constant 5 : i32
      %get3A_606 = arith.index_cast %get3A_605 : i32 to index
      %get3A_607 = arith.constant 16 : index
      %get3A_608 = tpu.vector_load %arg13[%get3A_606, %get3A_607] {strides = array<i32>} : memref<16x128xf32, #tpu.memory_space<vmem>>, vector<1x16xf32>,
      %get3A_609 = vector.shape_cast %get3A_608 : vector<1x16xf32> to vector<16xf32>
      %get3A_610 = arith.constant 5 : i32
      %get3A_611 = arith.index_cast %get3A_610 : i32 to index
      %get3A_612 = arith.constant 80 : index
      %get3A_613 = tpu.vector_load %arg13[%get3A_611, %get3A_612] {strides = array<i32>} : memref<16x128xf32, #tpu.memory_space<vmem>>, vector<1x16xf32>,
      %get3A_614 = vector.shape_cast %get3A_613 : vector<1x16xf32> to vector<16xf32>
      %sub3A_615 = arith.subf %get3A_614, %get3A_609 : vector<16xf32>
      %mul3A_616 = arith.mulf %gather3A_297, %sub3A_615 : vector<16xf32>
      %add3A_617 = arith.addf %get3A_609, %mul3A_616 : vector<16xf32>
      %mul3A_618 = vector.broadcast %squeeze3A_604 : f32 to vector<16xf32>
      %mul3A_619 = arith.mulf %mul3A_618, %add3A_617 : vector<16xf32>
      %add3A_620 = arith.addf %add3A_602, %mul3A_619 : vector<16xf32>
      %slice3A_621 = vector.extract_strided_slice %get3A_224 {offsets = [6], sizes = [1], strides = [1]} : vector<16xf32> to vector<1xf32>
      %squeeze3A_622 = vector.extract %slice3A_621[0] : f32 from vector<1xf32>
      %get3A_623 = arith.constant 6 : i32
      %get3A_624 = arith.index_cast %get3A_623 : i32 to index
      %get3A_625 = arith.constant 16 : index
      %get3A_626 = tpu.vector_load %arg13[%get3A_624, %get3A_625] {strides = array<i32>} : memref<16x128xf32, #tpu.memory_space<vmem>>, vector<1x16xf32>,
      %get3A_627 = vector.shape_cast %get3A_626 : vector<1x16xf32> to vector<16xf32>
      %get3A_628 = arith.constant 6 : i32
      %get3A_629 = arith.index_cast %get3A_628 : i32 to index
      %get3A_630 = arith.constant 80 : index
      %get3A_631 = tpu.vector_load %arg13[%get3A_629, %get3A_630] {strides = array<i32>} : memref<16x128xf32, #tpu.memory_space<vmem>>, vector<1x16xf32>,
      %get3A_632 = vector.shape_cast %get3A_631 : vector<1x16xf32> to vector<16xf32>
      %sub3A_633 = arith.subf %get3A_632, %get3A_627 : vector<16xf32>
      %mul3A_634 = arith.mulf %gather3A_309, %sub3A_633 : vector<16xf32>
      %add3A_635 = arith.addf %get3A_627, %mul3A_634 : vector<16xf32>
      %mul3A_636 = vector.broadcast %squeeze3A_622 : f32 to vector<16xf32>
      %mul3A_637 = arith.mulf %mul3A_636, %add3A_635 : vector<16xf32>
      %add3A_638 = arith.addf %add3A_620, %mul3A_637 : vector<16xf32>
      %slice3A_639 = vector.extract_strided_slice %get3A_224 {offsets = [7], sizes = [1], strides = [1]} : vector<16xf32> to vector<1xf32>
      %squeeze3A_640 = vector.extract %slice3A_639[0] : f32 from vector<1xf32>
      %get3A_641 = arith.constant 7 : i32
      %get3A_642 = arith.index_cast %get3A_641 : i32 to index
      %get3A_643 = arith.constant 16 : index
      %get3A_644 = tpu.vector_load %arg13[%get3A_642, %get3A_643] {strides = array<i32>} : memref<16x128xf32, #tpu.memory_space<vmem>>, vector<1x16xf32>,
      %get3A_645 = vector.shape_cast %get3A_644 : vector<1x16xf32> to vector<16xf32>
      %get3A_646 = arith.constant 7 : i32
      %get3A_647 = arith.index_cast %get3A_646 : i32 to index
      %get3A_648 = arith.constant 80 : index
      %get3A_649 = tpu.vector_load %arg13[%get3A_647, %get3A_648] {strides = array<i32>} : memref<16x128xf32, #tpu.memory_space<vmem>>, vector<1x16xf32>,
      %get3A_650 = vector.shape_cast %get3A_649 : vector<1x16xf32> to vector<16xf32>
      %sub3A_651 = arith.subf %get3A_650, %get3A_645 : vector<16xf32>
      %mul3A_652 = arith.mulf %gather3A_321, %sub3A_651 : vector<16xf32>
      %add3A_653 = arith.addf %get3A_645, %mul3A_652 : vector<16xf32>
      %mul3A_654 = vector.broadcast %squeeze3A_640 : f32 to vector<16xf32>
      %mul3A_655 = arith.mulf %mul3A_654, %add3A_653 : vector<16xf32>
      %add3A_656 = arith.addf %add3A_638, %mul3A_655 : vector<16xf32>
      %sub3A_657 = arith.subf %add3A_656, %add3A_510 : vector<16xf32>
      %mul3A_658 = arith.mulf %mul3A_221, %sub3A_657 : vector<16xf32>
      %add3A_659 = arith.addf %add3A_510, %mul3A_658 : vector<16xf32>
      %swap3A_660 = arith.constant 16 : index
      %swap3A_661 = tpu.vector_load %arg14[%swap3A_660] {strides = array<i32>} : memref<64xf32, #tpu.memory_space<vmem>>, vector<16xf32>,
      %swap3A_662 = vector.shape_cast %swap3A_661 : vector<16xf32> to vector<16xf32>
      %swap3A_663 = vector.shape_cast %add3A_659 : vector<16xf32> to vector<16xf32>
      tpu.vector_store %arg14[%swap3A_660], %swap3A_663 {strides = array<i32>} : memref<64xf32, #tpu.memory_space<vmem>>, vector<16xf32>,
      %get3A_664 = arith.constant 8 : i32
      %get3A_665 = arith.index_cast %get3A_664 : i32 to index
      %get3A_666 = arith.constant 32 : index
      %get3A_667 = tpu.vector_load %arg13[%get3A_665, %get3A_666] {strides = array<i32>} : memref<16x128xf32, #tpu.memory_space<vmem>>, vector<1x16xf32>,
      %get3A_668 = vector.shape_cast %get3A_667 : vector<1x16xf32> to vector<16xf32>
      %get3A_669 = arith.constant 8 : i32
      %get3A_670 = arith.index_cast %get3A_669 : i32 to index
      %get3A_671 = arith.constant 96 : index
      %get3A_672 = tpu.vector_load %arg13[%get3A_670, %get3A_671] {strides = array<i32>} : memref<16x128xf32, #tpu.memory_space<vmem>>, vector<1x16xf32>,
      %get3A_673 = vector.shape_cast %get3A_672 : vector<1x16xf32> to vector<16xf32>
      %sub3A_674 = arith.subf %get3A_673, %get3A_668 : vector<16xf32>
      %mul3A_675 = arith.mulf %gather3A_333, %sub3A_674 : vector<16xf32>
      %add3A_676 = arith.addf %get3A_668, %mul3A_675 : vector<16xf32>
      %broadcast_in_dim3A_677 = arith.constant 0.000000e+00 : f32
      %broadcast_in_dim3A_678 = vector.broadcast %broadcast_in_dim3A_677 : f32 to vector<16xf32>
      %slice3A_679 = vector.extract_strided_slice %get3A_224 {offsets = [0], sizes = [1], strides = [1]} : vector<16xf32> to vector<1xf32>
      %squeeze3A_680 = vector.extract %slice3A_679[0] : f32 from vector<1xf32>
      %get3A_681 = arith.constant 0 : i32
      %get3A_682 = arith.index_cast %get3A_681 : i32 to index
      %get3A_683 = arith.constant 32 : index
      %get3A_684 = tpu.vector_load %arg13[%get3A_682, %get3A_683] {strides = array<i32>} : memref<16x128xf32, #tpu.memory_space<vmem>>, vector<1x16xf32>,
      %get3A_685 = vector.shape_cast %get3A_684 : vector<1x16xf32> to vector<16xf32>
      %get3A_686 = arith.constant 0 : i32
      %get3A_687 = arith.index_cast %get3A_686 : i32 to index
      %get3A_688 = arith.constant 96 : index
      %get3A_689 = tpu.vector_load %arg13[%get3A_687, %get3A_688] {strides = array<i32>} : memref<16x128xf32, #tpu.memory_space<vmem>>, vector<1x16xf32>,
      %get3A_690 = vector.shape_cast %get3A_689 : vector<1x16xf32> to vector<16xf32>
      %sub3A_691 = arith.subf %get3A_690, %get3A_685 : vector<16xf32>
      %mul3A_692 = arith.mulf %gather3A_237, %sub3A_691 : vector<16xf32>
      %add3A_693 = arith.addf %get3A_685, %mul3A_692 : vector<16xf32>
      %mul3A_694 = vector.broadcast %squeeze3A_680 : f32 to vector<16xf32>
      %mul3A_695 = arith.mulf %mul3A_694, %add3A_693 : vector<16xf32>
      %add3A_696 = arith.addf %broadcast_in_dim3A_678, %mul3A_695 : vector<16xf32>
      %slice3A_697 = vector.extract_strided_slice %get3A_224 {offsets = [1], sizes = [1], strides = [1]} : vector<16xf32> to vector<1xf32>
      %squeeze3A_698 = vector.extract %slice3A_697[0] : f32 from vector<1xf32>
      %get3A_699 = arith.constant 1 : i32
      %get3A_700 = arith.index_cast %get3A_699 : i32 to index
      %get3A_701 = arith.constant 32 : index
      %get3A_702 = tpu.vector_load %arg13[%get3A_700, %get3A_701] {strides = array<i32>} : memref<16x128xf32, #tpu.memory_space<vmem>>, vector<1x16xf32>,
      %get3A_703 = vector.shape_cast %get3A_702 : vector<1x16xf32> to vector<16xf32>
      %get3A_704 = arith.constant 1 : i32
      %get3A_705 = arith.index_cast %get3A_704 : i32 to index
      %get3A_706 = arith.constant 96 : index
      %get3A_707 = tpu.vector_load %arg13[%get3A_705, %get3A_706] {strides = array<i32>} : memref<16x128xf32, #tpu.memory_space<vmem>>, vector<1x16xf32>,
      %get3A_708 = vector.shape_cast %get3A_707 : vector<1x16xf32> to vector<16xf32>
      %sub3A_709 = arith.subf %get3A_708, %get3A_703 : vector<16xf32>
      %mul3A_710 = arith.mulf %gather3A_249, %sub3A_709 : vector<16xf32>
      %add3A_711 = arith.addf %get3A_703, %mul3A_710 : vector<16xf32>
      %mul3A_712 = vector.broadcast %squeeze3A_698 : f32 to vector<16xf32>
      %mul3A_713 = arith.mulf %mul3A_712, %add3A_711 : vector<16xf32>
      %add3A_714 = arith.addf %add3A_696, %mul3A_713 : vector<16xf32>
      %slice3A_715 = vector.extract_strided_slice %get3A_224 {offsets = [2], sizes = [1], strides = [1]} : vector<16xf32> to vector<1xf32>
      %squeeze3A_716 = vector.extract %slice3A_715[0] : f32 from vector<1xf32>
      %get3A_717 = arith.constant 2 : i32
      %get3A_718 = arith.index_cast %get3A_717 : i32 to index
      %get3A_719 = arith.constant 32 : index
      %get3A_720 = tpu.vector_load %arg13[%get3A_718, %get3A_719] {strides = array<i32>} : memref<16x128xf32, #tpu.memory_space<vmem>>, vector<1x16xf32>,
      %get3A_721 = vector.shape_cast %get3A_720 : vector<1x16xf32> to vector<16xf32>
      %get3A_722 = arith.constant 2 : i32
      %get3A_723 = arith.index_cast %get3A_722 : i32 to index
      %get3A_724 = arith.constant 96 : index
      %get3A_725 = tpu.vector_load %arg13[%get3A_723, %get3A_724] {strides = array<i32>} : memref<16x128xf32, #tpu.memory_space<vmem>>, vector<1x16xf32>,
      %get3A_726 = vector.shape_cast %get3A_725 : vector<1x16xf32> to vector<16xf32>
      %sub3A_727 = arith.subf %get3A_726, %get3A_721 : vector<16xf32>
      %mul3A_728 = arith.mulf %gather3A_261, %sub3A_727 : vector<16xf32>
      %add3A_729 = arith.addf %get3A_721, %mul3A_728 : vector<16xf32>
      %mul3A_730 = vector.broadcast %squeeze3A_716 : f32 to vector<16xf32>
      %mul3A_731 = arith.mulf %mul3A_730, %add3A_729 : vector<16xf32>
      %add3A_732 = arith.addf %add3A_714, %mul3A_731 : vector<16xf32>
      %slice3A_733 = vector.extract_strided_slice %get3A_224 {offsets = [3], sizes = [1], strides = [1]} : vector<16xf32> to vector<1xf32>
      %squeeze3A_734 = vector.extract %slice3A_733[0] : f32 from vector<1xf32>
      %get3A_735 = arith.constant 3 : i32
      %get3A_736 = arith.index_cast %get3A_735 : i32 to index
      %get3A_737 = arith.constant 32 : index
      %get3A_738 = tpu.vector_load %arg13[%get3A_736, %get3A_737] {strides = array<i32>} : memref<16x128xf32, #tpu.memory_space<vmem>>, vector<1x16xf32>,
      %get3A_739 = vector.shape_cast %get3A_738 : vector<1x16xf32> to vector<16xf32>
      %get3A_740 = arith.constant 3 : i32
      %get3A_741 = arith.index_cast %get3A_740 : i32 to index
      %get3A_742 = arith.constant 96 : index
      %get3A_743 = tpu.vector_load %arg13[%get3A_741, %get3A_742] {strides = array<i32>} : memref<16x128xf32, #tpu.memory_space<vmem>>, vector<1x16xf32>,
      %get3A_744 = vector.shape_cast %get3A_743 : vector<1x16xf32> to vector<16xf32>
      %sub3A_745 = arith.subf %get3A_744, %get3A_739 : vector<16xf32>
      %mul3A_746 = arith.mulf %gather3A_273, %sub3A_745 : vector<16xf32>
      %add3A_747 = arith.addf %get3A_739, %mul3A_746 : vector<16xf32>
      %mul3A_748 = vector.broadcast %squeeze3A_734 : f32 to vector<16xf32>
      %mul3A_749 = arith.mulf %mul3A_748, %add3A_747 : vector<16xf32>
      %add3A_750 = arith.addf %add3A_732, %mul3A_749 : vector<16xf32>
      %slice3A_751 = vector.extract_strided_slice %get3A_224 {offsets = [4], sizes = [1], strides = [1]} : vector<16xf32> to vector<1xf32>
      %squeeze3A_752 = vector.extract %slice3A_751[0] : f32 from vector<1xf32>
      %get3A_753 = arith.constant 4 : i32
      %get3A_754 = arith.index_cast %get3A_753 : i32 to index
      %get3A_755 = arith.constant 32 : index
      %get3A_756 = tpu.vector_load %arg13[%get3A_754, %get3A_755] {strides = array<i32>} : memref<16x128xf32, #tpu.memory_space<vmem>>, vector<1x16xf32>,
      %get3A_757 = vector.shape_cast %get3A_756 : vector<1x16xf32> to vector<16xf32>
      %get3A_758 = arith.constant 4 : i32
      %get3A_759 = arith.index_cast %get3A_758 : i32 to index
      %get3A_760 = arith.constant 96 : index
      %get3A_761 = tpu.vector_load %arg13[%get3A_759, %get3A_760] {strides = array<i32>} : memref<16x128xf32, #tpu.memory_space<vmem>>, vector<1x16xf32>,
      %get3A_762 = vector.shape_cast %get3A_761 : vector<1x16xf32> to vector<16xf32>
      %sub3A_763 = arith.subf %get3A_762, %get3A_757 : vector<16xf32>
      %mul3A_764 = arith.mulf %gather3A_285, %sub3A_763 : vector<16xf32>
      %add3A_765 = arith.addf %get3A_757, %mul3A_764 : vector<16xf32>
      %mul3A_766 = vector.broadcast %squeeze3A_752 : f32 to vector<16xf32>
      %mul3A_767 = arith.mulf %mul3A_766, %add3A_765 : vector<16xf32>
      %add3A_768 = arith.addf %add3A_750, %mul3A_767 : vector<16xf32>
      %slice3A_769 = vector.extract_strided_slice %get3A_224 {offsets = [5], sizes = [1], strides = [1]} : vector<16xf32> to vector<1xf32>
      %squeeze3A_770 = vector.extract %slice3A_769[0] : f32 from vector<1xf32>
      %get3A_771 = arith.constant 5 : i32
      %get3A_772 = arith.index_cast %get3A_771 : i32 to index
      %get3A_773 = arith.constant 32 : index
      %get3A_774 = tpu.vector_load %arg13[%get3A_772, %get3A_773] {strides = array<i32>} : memref<16x128xf32, #tpu.memory_space<vmem>>, vector<1x16xf32>,
      %get3A_775 = vector.shape_cast %get3A_774 : vector<1x16xf32> to vector<16xf32>
      %get3A_776 = arith.constant 5 : i32
      %get3A_777 = arith.index_cast %get3A_776 : i32 to index
      %get3A_778 = arith.constant 96 : index
      %get3A_779 = tpu.vector_load %arg13[%get3A_777, %get3A_778] {strides = array<i32>} : memref<16x128xf32, #tpu.memory_space<vmem>>, vector<1x16xf32>,
      %get3A_780 = vector.shape_cast %get3A_779 : vector<1x16xf32> to vector<16xf32>
      %sub3A_781 = arith.subf %get3A_780, %get3A_775 : vector<16xf32>
      %mul3A_782 = arith.mulf %gather3A_297, %sub3A_781 : vector<16xf32>
      %add3A_783 = arith.addf %get3A_775, %mul3A_782 : vector<16xf32>
      %mul3A_784 = vector.broadcast %squeeze3A_770 : f32 to vector<16xf32>
      %mul3A_785 = arith.mulf %mul3A_784, %add3A_783 : vector<16xf32>
      %add3A_786 = arith.addf %add3A_768, %mul3A_785 : vector<16xf32>
      %slice3A_787 = vector.extract_strided_slice %get3A_224 {offsets = [6], sizes = [1], strides = [1]} : vector<16xf32> to vector<1xf32>
      %squeeze3A_788 = vector.extract %slice3A_787[0] : f32 from vector<1xf32>
      %get3A_789 = arith.constant 6 : i32
      %get3A_790 = arith.index_cast %get3A_789 : i32 to index
      %get3A_791 = arith.constant 32 : index
      %get3A_792 = tpu.vector_load %arg13[%get3A_790, %get3A_791] {strides = array<i32>} : memref<16x128xf32, #tpu.memory_space<vmem>>, vector<1x16xf32>,
      %get3A_793 = vector.shape_cast %get3A_792 : vector<1x16xf32> to vector<16xf32>
      %get3A_794 = arith.constant 6 : i32
      %get3A_795 = arith.index_cast %get3A_794 : i32 to index
      %get3A_796 = arith.constant 96 : index
      %get3A_797 = tpu.vector_load %arg13[%get3A_795, %get3A_796] {strides = array<i32>} : memref<16x128xf32, #tpu.memory_space<vmem>>, vector<1x16xf32>,
      %get3A_798 = vector.shape_cast %get3A_797 : vector<1x16xf32> to vector<16xf32>
      %sub3A_799 = arith.subf %get3A_798, %get3A_793 : vector<16xf32>
      %mul3A_800 = arith.mulf %gather3A_309, %sub3A_799 : vector<16xf32>
      %add3A_801 = arith.addf %get3A_793, %mul3A_800 : vector<16xf32>
      %mul3A_802 = vector.broadcast %squeeze3A_788 : f32 to vector<16xf32>
      %mul3A_803 = arith.mulf %mul3A_802, %add3A_801 : vector<16xf32>
      %add3A_804 = arith.addf %add3A_786, %mul3A_803 : vector<16xf32>
      %slice3A_805 = vector.extract_strided_slice %get3A_224 {offsets = [7], sizes = [1], strides = [1]} : vector<16xf32> to vector<1xf32>
      %squeeze3A_806 = vector.extract %slice3A_805[0] : f32 from vector<1xf32>
      %get3A_807 = arith.constant 7 : i32
      %get3A_808 = arith.index_cast %get3A_807 : i32 to index
      %get3A_809 = arith.constant 32 : index
      %get3A_810 = tpu.vector_load %arg13[%get3A_808, %get3A_809] {strides = array<i32>} : memref<16x128xf32, #tpu.memory_space<vmem>>, vector<1x16xf32>,
      %get3A_811 = vector.shape_cast %get3A_810 : vector<1x16xf32> to vector<16xf32>
      %get3A_812 = arith.constant 7 : i32
      %get3A_813 = arith.index_cast %get3A_812 : i32 to index
      %get3A_814 = arith.constant 96 : index
      %get3A_815 = tpu.vector_load %arg13[%get3A_813, %get3A_814] {strides = array<i32>} : memref<16x128xf32, #tpu.memory_space<vmem>>, vector<1x16xf32>,
      %get3A_816 = vector.shape_cast %get3A_815 : vector<1x16xf32> to vector<16xf32>
      %sub3A_817 = arith.subf %get3A_816, %get3A_811 : vector<16xf32>
      %mul3A_818 = arith.mulf %gather3A_321, %sub3A_817 : vector<16xf32>
      %add3A_819 = arith.addf %get3A_811, %mul3A_818 : vector<16xf32>
      %mul3A_820 = vector.broadcast %squeeze3A_806 : f32 to vector<16xf32>
      %mul3A_821 = arith.mulf %mul3A_820, %add3A_819 : vector<16xf32>
      %add3A_822 = arith.addf %add3A_804, %mul3A_821 : vector<16xf32>
      %sub3A_823 = arith.subf %add3A_822, %add3A_676 : vector<16xf32>
      %mul3A_824 = arith.mulf %mul3A_221, %sub3A_823 : vector<16xf32>
      %add3A_825 = arith.addf %add3A_676, %mul3A_824 : vector<16xf32>
      %swap3A_826 = arith.constant 32 : index
      %swap3A_827 = tpu.vector_load %arg14[%swap3A_826] {strides = array<i32>} : memref<64xf32, #tpu.memory_space<vmem>>, vector<16xf32>,
      %swap3A_828 = vector.shape_cast %swap3A_827 : vector<16xf32> to vector<16xf32>
      %swap3A_829 = vector.shape_cast %add3A_825 : vector<16xf32> to vector<16xf32>
      tpu.vector_store %arg14[%swap3A_826], %swap3A_829 {strides = array<i32>} : memref<64xf32, #tpu.memory_space<vmem>>, vector<16xf32>,
      %get3A_830 = arith.constant 8 : i32
      %get3A_831 = arith.index_cast %get3A_830 : i32 to index
      %get3A_832 = arith.constant 48 : index
      %get3A_833 = tpu.vector_load %arg13[%get3A_831, %get3A_832] {strides = array<i32>} : memref<16x128xf32, #tpu.memory_space<vmem>>, vector<1x16xf32>,
      %get3A_834 = vector.shape_cast %get3A_833 : vector<1x16xf32> to vector<16xf32>
      %get3A_835 = arith.constant 8 : i32
      %get3A_836 = arith.index_cast %get3A_835 : i32 to index
      %get3A_837 = arith.constant 112 : index
      %get3A_838 = tpu.vector_load %arg13[%get3A_836, %get3A_837] {strides = array<i32>} : memref<16x128xf32, #tpu.memory_space<vmem>>, vector<1x16xf32>,
      %get3A_839 = vector.shape_cast %get3A_838 : vector<1x16xf32> to vector<16xf32>
      %sub3A_840 = arith.subf %get3A_839, %get3A_834 : vector<16xf32>
      %mul3A_841 = arith.mulf %gather3A_333, %sub3A_840 : vector<16xf32>
      %add3A_842 = arith.addf %get3A_834, %mul3A_841 : vector<16xf32>
      %broadcast_in_dim3A_843 = arith.constant 0.000000e+00 : f32
      %broadcast_in_dim3A_844 = vector.broadcast %broadcast_in_dim3A_843 : f32 to vector<16xf32>
      %slice3A_845 = vector.extract_strided_slice %get3A_224 {offsets = [0], sizes = [1], strides = [1]} : vector<16xf32> to vector<1xf32>
      %squeeze3A_846 = vector.extract %slice3A_845[0] : f32 from vector<1xf32>
      %get3A_847 = arith.constant 0 : i32
      %get3A_848 = arith.index_cast %get3A_847 : i32 to index
      %get3A_849 = arith.constant 48 : index
      %get3A_850 = tpu.vector_load %arg13[%get3A_848, %get3A_849] {strides = array<i32>} : memref<16x128xf32, #tpu.memory_space<vmem>>, vector<1x16xf32>,
      %get3A_851 = vector.shape_cast %get3A_850 : vector<1x16xf32> to vector<16xf32>
      %get3A_852 = arith.constant 0 : i32
      %get3A_853 = arith.index_cast %get3A_852 : i32 to index
      %get3A_854 = arith.constant 112 : index
      %get3A_855 = tpu.vector_load %arg13[%get3A_853, %get3A_854] {strides = array<i32>} : memref<16x128xf32, #tpu.memory_space<vmem>>, vector<1x16xf32>,
      %get3A_856 = vector.shape_cast %get3A_855 : vector<1x16xf32> to vector<16xf32>
      %sub3A_857 = arith.subf %get3A_856, %get3A_851 : vector<16xf32>
      %mul3A_858 = arith.mulf %gather3A_237, %sub3A_857 : vector<16xf32>
      %add3A_859 = arith.addf %get3A_851, %mul3A_858 : vector<16xf32>
      %mul3A_860 = vector.broadcast %squeeze3A_846 : f32 to vector<16xf32>
      %mul3A_861 = arith.mulf %mul3A_860, %add3A_859 : vector<16xf32>
      %add3A_862 = arith.addf %broadcast_in_dim3A_844, %mul3A_861 : vector<16xf32>
      %slice3A_863 = vector.extract_strided_slice %get3A_224 {offsets = [1], sizes = [1], strides = [1]} : vector<16xf32> to vector<1xf32>
      %squeeze3A_864 = vector.extract %slice3A_863[0] : f32 from vector<1xf32>
      %get3A_865 = arith.constant 1 : i32
      %get3A_866 = arith.index_cast %get3A_865 : i32 to index
      %get3A_867 = arith.constant 48 : index
      %get3A_868 = tpu.vector_load %arg13[%get3A_866, %get3A_867] {strides = array<i32>} : memref<16x128xf32, #tpu.memory_space<vmem>>, vector<1x16xf32>,
      %get3A_869 = vector.shape_cast %get3A_868 : vector<1x16xf32> to vector<16xf32>
      %get3A_870 = arith.constant 1 : i32
      %get3A_871 = arith.index_cast %get3A_870 : i32 to index
      %get3A_872 = arith.constant 112 : index
      %get3A_873 = tpu.vector_load %arg13[%get3A_871, %get3A_872] {strides = array<i32>} : memref<16x128xf32, #tpu.memory_space<vmem>>, vector<1x16xf32>,
      %get3A_874 = vector.shape_cast %get3A_873 : vector<1x16xf32> to vector<16xf32>
      %sub3A_875 = arith.subf %get3A_874, %get3A_869 : vector<16xf32>
      %mul3A_876 = arith.mulf %gather3A_249, %sub3A_875 : vector<16xf32>
      %add3A_877 = arith.addf %get3A_869, %mul3A_876 : vector<16xf32>
      %mul3A_878 = vector.broadcast %squeeze3A_864 : f32 to vector<16xf32>
      %mul3A_879 = arith.mulf %mul3A_878, %add3A_877 : vector<16xf32>
      %add3A_880 = arith.addf %add3A_862, %mul3A_879 : vector<16xf32>
      %slice3A_881 = vector.extract_strided_slice %get3A_224 {offsets = [2], sizes = [1], strides = [1]} : vector<16xf32> to vector<1xf32>
      %squeeze3A_882 = vector.extract %slice3A_881[0] : f32 from vector<1xf32>
      %get3A_883 = arith.constant 2 : i32
      %get3A_884 = arith.index_cast %get3A_883 : i32 to index
      %get3A_885 = arith.constant 48 : index
      %get3A_886 = tpu.vector_load %arg13[%get3A_884, %get3A_885] {strides = array<i32>} : memref<16x128xf32, #tpu.memory_space<vmem>>, vector<1x16xf32>,
      %get3A_887 = vector.shape_cast %get3A_886 : vector<1x16xf32> to vector<16xf32>
      %get3A_888 = arith.constant 2 : i32
      %get3A_889 = arith.index_cast %get3A_888 : i32 to index
      %get3A_890 = arith.constant 112 : index
      %get3A_891 = tpu.vector_load %arg13[%get3A_889, %get3A_890] {strides = array<i32>} : memref<16x128xf32, #tpu.memory_space<vmem>>, vector<1x16xf32>,
      %get3A_892 = vector.shape_cast %get3A_891 : vector<1x16xf32> to vector<16xf32>
      %sub3A_893 = arith.subf %get3A_892, %get3A_887 : vector<16xf32>
      %mul3A_894 = arith.mulf %gather3A_261, %sub3A_893 : vector<16xf32>
      %add3A_895 = arith.addf %get3A_887, %mul3A_894 : vector<16xf32>
      %mul3A_896 = vector.broadcast %squeeze3A_882 : f32 to vector<16xf32>
      %mul3A_897 = arith.mulf %mul3A_896, %add3A_895 : vector<16xf32>
      %add3A_898 = arith.addf %add3A_880, %mul3A_897 : vector<16xf32>
      %slice3A_899 = vector.extract_strided_slice %get3A_224 {offsets = [3], sizes = [1], strides = [1]} : vector<16xf32> to vector<1xf32>
      %squeeze3A_900 = vector.extract %slice3A_899[0] : f32 from vector<1xf32>
      %get3A_901 = arith.constant 3 : i32
      %get3A_902 = arith.index_cast %get3A_901 : i32 to index
      %get3A_903 = arith.constant 48 : index
      %get3A_904 = tpu.vector_load %arg13[%get3A_902, %get3A_903] {strides = array<i32>} : memref<16x128xf32, #tpu.memory_space<vmem>>, vector<1x16xf32>,
      %get3A_905 = vector.shape_cast %get3A_904 : vector<1x16xf32> to vector<16xf32>
      %get3A_906 = arith.constant 3 : i32
      %get3A_907 = arith.index_cast %get3A_906 : i32 to index
      %get3A_908 = arith.constant 112 : index
      %get3A_909 = tpu.vector_load %arg13[%get3A_907, %get3A_908] {strides = array<i32>} : memref<16x128xf32, #tpu.memory_space<vmem>>, vector<1x16xf32>,
      %get3A_910 = vector.shape_cast %get3A_909 : vector<1x16xf32> to vector<16xf32>
      %sub3A_911 = arith.subf %get3A_910, %get3A_905 : vector<16xf32>
      %mul3A_912 = arith.mulf %gather3A_273, %sub3A_911 : vector<16xf32>
      %add3A_913 = arith.addf %get3A_905, %mul3A_912 : vector<16xf32>
      %mul3A_914 = vector.broadcast %squeeze3A_900 : f32 to vector<16xf32>
      %mul3A_915 = arith.mulf %mul3A_914, %add3A_913 : vector<16xf32>
      %add3A_916 = arith.addf %add3A_898, %mul3A_915 : vector<16xf32>
      %slice3A_917 = vector.extract_strided_slice %get3A_224 {offsets = [4], sizes = [1], strides = [1]} : vector<16xf32> to vector<1xf32>
      %squeeze3A_918 = vector.extract %slice3A_917[0] : f32 from vector<1xf32>
      %get3A_919 = arith.constant 4 : i32
      %get3A_920 = arith.index_cast %get3A_919 : i32 to index
      %get3A_921 = arith.constant 48 : index
      %get3A_922 = tpu.vector_load %arg13[%get3A_920, %get3A_921] {strides = array<i32>} : memref<16x128xf32, #tpu.memory_space<vmem>>, vector<1x16xf32>,
      %get3A_923 = vector.shape_cast %get3A_922 : vector<1x16xf32> to vector<16xf32>
      %get3A_924 = arith.constant 4 : i32
      %get3A_925 = arith.index_cast %get3A_924 : i32 to index
      %get3A_926 = arith.constant 112 : index
      %get3A_927 = tpu.vector_load %arg13[%get3A_925, %get3A_926] {strides = array<i32>} : memref<16x128xf32, #tpu.memory_space<vmem>>, vector<1x16xf32>,
      %get3A_928 = vector.shape_cast %get3A_927 : vector<1x16xf32> to vector<16xf32>
      %sub3A_929 = arith.subf %get3A_928, %get3A_923 : vector<16xf32>
      %mul3A_930 = arith.mulf %gather3A_285, %sub3A_929 : vector<16xf32>
      %add3A_931 = arith.addf %get3A_923, %mul3A_930 : vector<16xf32>
      %mul3A_932 = vector.broadcast %squeeze3A_918 : f32 to vector<16xf32>
      %mul3A_933 = arith.mulf %mul3A_932, %add3A_931 : vector<16xf32>
      %add3A_934 = arith.addf %add3A_916, %mul3A_933 : vector<16xf32>
      %slice3A_935 = vector.extract_strided_slice %get3A_224 {offsets = [5], sizes = [1], strides = [1]} : vector<16xf32> to vector<1xf32>
      %squeeze3A_936 = vector.extract %slice3A_935[0] : f32 from vector<1xf32>
      %get3A_937 = arith.constant 5 : i32
      %get3A_938 = arith.index_cast %get3A_937 : i32 to index
      %get3A_939 = arith.constant 48 : index
      %get3A_940 = tpu.vector_load %arg13[%get3A_938, %get3A_939] {strides = array<i32>} : memref<16x128xf32, #tpu.memory_space<vmem>>, vector<1x16xf32>,
      %get3A_941 = vector.shape_cast %get3A_940 : vector<1x16xf32> to vector<16xf32>
      %get3A_942 = arith.constant 5 : i32
      %get3A_943 = arith.index_cast %get3A_942 : i32 to index
      %get3A_944 = arith.constant 112 : index
      %get3A_945 = tpu.vector_load %arg13[%get3A_943, %get3A_944] {strides = array<i32>} : memref<16x128xf32, #tpu.memory_space<vmem>>, vector<1x16xf32>,
      %get3A_946 = vector.shape_cast %get3A_945 : vector<1x16xf32> to vector<16xf32>
      %sub3A_947 = arith.subf %get3A_946, %get3A_941 : vector<16xf32>
      %mul3A_948 = arith.mulf %gather3A_297, %sub3A_947 : vector<16xf32>
      %add3A_949 = arith.addf %get3A_941, %mul3A_948 : vector<16xf32>
      %mul3A_950 = vector.broadcast %squeeze3A_936 : f32 to vector<16xf32>
      %mul3A_951 = arith.mulf %mul3A_950, %add3A_949 : vector<16xf32>
      %add3A_952 = arith.addf %add3A_934, %mul3A_951 : vector<16xf32>
      %slice3A_953 = vector.extract_strided_slice %get3A_224 {offsets = [6], sizes = [1], strides = [1]} : vector<16xf32> to vector<1xf32>
      %squeeze3A_954 = vector.extract %slice3A_953[0] : f32 from vector<1xf32>
      %get3A_955 = arith.constant 6 : i32
      %get3A_956 = arith.index_cast %get3A_955 : i32 to index
      %get3A_957 = arith.constant 48 : index
      %get3A_958 = tpu.vector_load %arg13[%get3A_956, %get3A_957] {strides = array<i32>} : memref<16x128xf32, #tpu.memory_space<vmem>>, vector<1x16xf32>,
      %get3A_959 = vector.shape_cast %get3A_958 : vector<1x16xf32> to vector<16xf32>
      %get3A_960 = arith.constant 6 : i32
      %get3A_961 = arith.index_cast %get3A_960 : i32 to index
      %get3A_962 = arith.constant 112 : index
      %get3A_963 = tpu.vector_load %arg13[%get3A_961, %get3A_962] {strides = array<i32>} : memref<16x128xf32, #tpu.memory_space<vmem>>, vector<1x16xf32>,
      %get3A_964 = vector.shape_cast %get3A_963 : vector<1x16xf32> to vector<16xf32>
      %sub3A_965 = arith.subf %get3A_964, %get3A_959 : vector<16xf32>
      %mul3A_966 = arith.mulf %gather3A_309, %sub3A_965 : vector<16xf32>
      %add3A_967 = arith.addf %get3A_959, %mul3A_966 : vector<16xf32>
      %mul3A_968 = vector.broadcast %squeeze3A_954 : f32 to vector<16xf32>
      %mul3A_969 = arith.mulf %mul3A_968, %add3A_967 : vector<16xf32>
      %add3A_970 = arith.addf %add3A_952, %mul3A_969 : vector<16xf32>
      %slice3A_971 = vector.extract_strided_slice %get3A_224 {offsets = [7], sizes = [1], strides = [1]} : vector<16xf32> to vector<1xf32>
      %squeeze3A_972 = vector.extract %slice3A_971[0] : f32 from vector<1xf32>
      %get3A_973 = arith.constant 7 : i32
      %get3A_974 = arith.index_cast %get3A_973 : i32 to index
      %get3A_975 = arith.constant 48 : index
      %get3A_976 = tpu.vector_load %arg13[%get3A_974, %get3A_975] {strides = array<i32>} : memref<16x128xf32, #tpu.memory_space<vmem>>, vector<1x16xf32>,
      %get3A_977 = vector.shape_cast %get3A_976 : vector<1x16xf32> to vector<16xf32>
      %get3A_978 = arith.constant 7 : i32
      %get3A_979 = arith.index_cast %get3A_978 : i32 to index
      %get3A_980 = arith.constant 112 : index
      %get3A_981 = tpu.vector_load %arg13[%get3A_979, %get3A_980] {strides = array<i32>} : memref<16x128xf32, #tpu.memory_space<vmem>>, vector<1x16xf32>,
      %get3A_982 = vector.shape_cast %get3A_981 : vector<1x16xf32> to vector<16xf32>
      %sub3A_983 = arith.subf %get3A_982, %get3A_977 : vector<16xf32>
      %mul3A_984 = arith.mulf %gather3A_321, %sub3A_983 : vector<16xf32>
      %add3A_985 = arith.addf %get3A_977, %mul3A_984 : vector<16xf32>
      %mul3A_986 = vector.broadcast %squeeze3A_972 : f32 to vector<16xf32>
      %mul3A_987 = arith.mulf %mul3A_986, %add3A_985 : vector<16xf32>
      %add3A_988 = arith.addf %add3A_970, %mul3A_987 : vector<16xf32>
      %sub3A_989 = arith.subf %add3A_988, %add3A_842 : vector<16xf32>
      %mul3A_990 = arith.mulf %mul3A_221, %sub3A_989 : vector<16xf32>
      %add3A_991 = arith.addf %add3A_842, %mul3A_990 : vector<16xf32>
      %swap3A_992 = arith.constant 48 : index
      %swap3A_993 = tpu.vector_load %arg14[%swap3A_992] {strides = array<i32>} : memref<64xf32, #tpu.memory_space<vmem>>, vector<16xf32>,
      %swap3A_994 = vector.shape_cast %swap3A_993 : vector<16xf32> to vector<16xf32>
      %swap3A_995 = vector.shape_cast %add3A_991 : vector<16xf32> to vector<16xf32>
      tpu.vector_store %arg14[%swap3A_992], %swap3A_995 {strides = array<i32>} : memref<64xf32, #tpu.memory_space<vmem>>, vector<16xf32>,
      %mul3A_996 = arith.constant 64 : i32
      %mul3A_997 = arith.muli %add3A_12, %mul3A_996 : i32
      %multiple_of3A_998 = tpu.assume_multiple %mul3A_997, 8 : i32
      "tpu.region"() ({
        %run_scoped3A = tpu.sem_alloc : memref<!tpu.dma_semaphore, #tpu.memory_space<semaphore_mem>>
        %dma_start3A_999 = tpu.memref_slice %arg6[%multiple_of3A_998] : memref<32768xf32, #tpu.memory_space<hbm>> -> memref<64xf32, #tpu.memory_space<hbm>>
        %dma_start3A_1000 = tpu.memref_slice %arg6[%multiple_of3A_998] : memref<32768xf32, #tpu.memory_space<hbm>> -> memref<64xf32, #tpu.memory_space<hbm>>
        tpu.enqueue_dma source(%arg14 : memref<64xf32, #tpu.memory_space<vmem>>) target(%dma_start3A_1000 : memref<64xf32, #tpu.memory_space<hbm>>) target_semaphore(%run_scoped3A : memref<!tpu.dma_semaphore, #tpu.memory_space<semaphore_mem>>)
        %dma_wait3A_1001 = tpu.memref_slice %arg6[%multiple_of3A_998] : memref<32768xf32, #tpu.memory_space<hbm>> -> memref<64xf32, #tpu.memory_space<hbm>>
        %dma_wait3A_1002 = tpu.memref_slice %arg6[%multiple_of3A_998] : memref<32768xf32, #tpu.memory_space<hbm>> -> memref<64xf32, #tpu.memory_space<hbm>>
        tpu.wait_dma2 semaphore(%run_scoped3A : memref<!tpu.dma_semaphore, #tpu.memory_space<semaphore_mem>>) src(%arg14 : memref<64xf32, #tpu.memory_space<vmem>>) dst(%dma_wait3A_1002 : memref<64xf32, #tpu.memory_space<hbm>>)
        tpu.yield
      }) : () -> ()
    }
    %scan3A_8 = arith.constant 16 : i32
    return
  }
}

</mosaic_0001>

<sc_bundles>
// kernel: _run.3.cloned.1.call-start
scs
__scs_entry_jumppad:
0x0: {  	(pc) =	sbr.rel $0x88, $3  }
0x1: {  	(tag) =	ssettag $0x0;
	lr =	simm.s32 $0x1  }
0x2: {  	[smem:$0x3F9D] =	sst lr;
	_ =	strace $0xD0000000  }
0x3: {  	_ = 	snop  }
0x4: {  	_ = 	snop  }
0x5: {  	_ = 	snop  }
0x6: {  	_ = 	snop  }
0x7: {  	_ = 	snop  }
__scs_overlays_trampoline_lowered:
0x8: {  	[smem:$0x3FAC] =	sst s0  }
0x9: {  	[smem:$0x3FAD] =	sst s1  }
0xa: {  	[smem:$0x3FAE] =	sst s2  }
0xb: {  	[smem:$0x3FAF] =	sst s3  }
0xc: {  	[smem:$0x3FB0] =	sst s4  }
0xd: {  	[smem:$0x3FB1] =	sst s5  }
0xe: {  	[smem:$0x3FB2] =	sst s6  }
0xf: {  	[smem:$0x3FB3] =	sst s7  }
0x10: {  	[smem:$0x3FB4] =	sst s8  }
0x11: {  	[smem:$0x3FB5] =	sst s9;
	s0 =	simm.s32 @!p0 $0x0  }
0x12: {  	s1 =	sld [smem:$0x3F9B];
	s0 =	simm.s32 @p0 $0x1  }
0x13: {  	[smem:$0x3FB6] =	sst s0;
	s0 =	simm.s32 @!p1 $0x0  }
0x14: {  	s2 =	sld [smem:$0x3F9A];
	s0 =	simm.s32 @p1 $0x1  }
0x15: {  	[smem:$0x3FB7] =	sst s0;
	s0 =	simm.s32 @!p2 $0x0  }
0x16: {  	s3 =	sld [smem:$0x3FDB];
	s0 =	simm.s32 @p2 $0x1  }
0x17: {  	s4 =	simm.s32 $0x1BF5;
	[smem:$0x3FB9] =	sst s0  }
0x18: {  	s0 =	sld [smem:$0x3F9C];
	_ =	swait.ge [sflag:s4], $0x0  }
0x19: {  	s7 =	sld [smem:$0x3F9D]  }
0x1a: {  	s8 =	sadd.s32 $0xFFFFE003, lr  }
0x1b: {  	s9 =	sadd.s32 $0xFFFFFEF7, lr;
	s5 =	simm.s32 $0xFFFFFFFF;
	p2 =	slt.u32 s8, $0xFFFFF086  }
0x1c: {  	p1 =	slt.u32 s9, $0xF7A;
	s5 =	simm.s32 @!p2 $0x0  }
0x1d: {  	s5 =	simm.s32 @p1 $0x1;
	p0 =	seq.s32 s7, s2  }
0x1e: {  	s7 =	smul.u32 @!p0 $0xF7A, s2;
	p2 =	seq.s32 @!p0 s5, $0x0  }
0x1f: {  	s9 =	smul.u32 $0xF7A, s1;
	s8 =	simm.s32 @!p0 $0x1BF5;
	p2 =	por !p2, p0  }
0x20: {  	[sflag:s8] =	ssyncset.s32 @!p0 $0xFFFFF086;
	s6 =	sadd.s32 @!p0 s3, s7;
	s7 =	simm.s32 @!p0 $0x108  }
0x21: {  	s3 =	sadd.s32 s3, s9;
	s6 =	sadd.s32 @!p0 $0x88, s6;
	s7 =	simm.s32 @p2 $0x1082  }
0x22: {  	[simem:s7], [sflag:s8] =	dma.local @!p0 [hbm:s6], $0xF7A  }
0x23: {  	s9 =	sor.u32 $0xD0000000, s2;
	s6 =	simm.s32 $0x108;
	_ =	swait.ge @!p0 [sflag:s8], $0x0  }
0x24: {  	s3 =	sadd.s32 $0x88, s3;
	s6 =	simm.s32 @!p1 $0x1082;
	[sflag:s4] =	ssyncset.s32 $0xFFFFF086  }
0x25: {  	[simem:s6], [sflag:s4] =	dma.local [hbm:s3], $0xF7A  }
0x26: {  	[smem:$0x3F9D] =	sst s1;
	(tag) =	ssettag s2;
	_ =	strace s9  }
0x27: {  	s1 =	sld [smem:$0x3FAD]  }
0x28: {  	s2 =	sld [smem:$0x3FAE]  }
0x29: {  	s4 =	sld [smem:$0x3FB0]  }
0x2a: {  	p0 =	seq.s32 s5, $0x0;
	s5 =	sld [smem:$0x3FB1]  }
0x2b: {  	s6 =	sld [smem:$0x3FB2]  }
0x2c: {  	s7 =	sld [smem:$0x3FB3]  }
0x2d: {  	s3 =	simm.s32 $0x108;
	s8 =	sld [smem:$0x3FB4]  }
0x2e: {  	s3 =	simm.s32 @!p0 $0x1082;
	s9 =	sld [smem:$0x3FB5]  }
0x2f: {  	lr =	sadd.s32 s0, s3;
	s0 =	sld [smem:$0x3FAC]  }
0x30: {  	s3 =	sld [smem:$0x3FAF]  }
0x31: {  	[smem:$0x3FB8] =	sst s10  }
0x32: {  	s10 =	sld [smem:$0x3FB6];
	_ =	sdelay $0x3  }
0x33: {  	p0 =	seq.s32 s10, $0x1;
	s10 =	sld [smem:$0x3FB8];
	_ =	sdelay $0x3  }
0x34: {  	[smem:$0x3FB8] =	sst s10  }
0x35: {  	s10 =	sld [smem:$0x3FB7];
	_ =	sdelay $0x3  }
0x36: {  	p1 =	seq.s32 s10, $0x1;
	s10 =	sld [smem:$0x3FB8];
	_ =	sdelay $0x3  }
0x37: {  	[smem:$0x3FB8] =	sst s10  }
0x38: {  	s10 =	sld [smem:$0x3FB9]  }
0x39: {  	_ = 	snop;
	(pc) =	sbr.ind lr, $3  }
0x3a: {  	_ = 	snop  }
0x3b: {  	_ = 	snop  }
0x3c: {  	p2 =	seq.s32 s10, $0x1;
	s10 =	sld [smem:$0x3FB8]  }
0x3d: {  	_ =	shalt  }
0x3e: {  	_ =	shalt  }
0x3f: {  	_ =	shalt  }
0x40: {  	_ =	shalt  }
0x41: {  	_ =	shalt  }
0x42: {  	_ =	shalt  }
0x43: {  	_ =	shalt  }
0x44: {  	_ =	shalt  }
0x45: {  	_ =	shalt  }
0x46: {  	_ =	shalt  }
0x47: {  	_ =	shalt  }
0x48: {  	_ =	shalt  }
0x49: {  	_ =	shalt  }
0x4a: {  	_ =	shalt  }
0x4b: {  	_ =	shalt  }
0x4c: {  	_ =	shalt  }
0x4d: {  	_ =	shalt  }
0x4e: {  	_ =	shalt  }
0x4f: {  	_ =	shalt  }
0x50: {  	_ =	shalt  }
0x51: {  	_ =	shalt  }
0x52: {  	_ =	shalt  }
0x53: {  	_ =	shalt  }
0x54: {  	_ =	shalt  }
0x55: {  	_ =	shalt  }
0x56: {  	_ =	shalt  }
0x57: {  	_ =	shalt  }
0x58: {  	_ =	shalt  }
0x59: {  	_ =	shalt  }
0x5a: {  	_ =	shalt  }
0x5b: {  	_ =	shalt  }
0x5c: {  	_ =	shalt  }
0x5d: {  	_ =	shalt  }
0x5e: {  	_ =	shalt  }
0x5f: {  	_ =	shalt  }
0x60: {  	_ =	shalt  }
0x61: {  	_ =	shalt  }
0x62: {  	_ =	shalt  }
0x63: {  	_ =	shalt  }
0x64: {  	_ =	shalt  }
0x65: {  	_ =	shalt  }
0x66: {  	_ =	shalt  }
0x67: {  	_ =	shalt  }
0x68: {  	_ =	shalt  }
0x69: {  	_ =	shalt  }
0x6a: {  	_ =	shalt  }
0x6b: {  	_ =	shalt  }
0x6c: {  	_ =	shalt  }
0x6d: {  	_ =	shalt  }
0x6e: {  	_ =	shalt  }
0x6f: {  	_ =	shalt  }
0x70: {  	_ =	shalt  }
0x71: {  	_ =	shalt  }
0x72: {  	_ =	shalt  }
0x73: {  	_ =	shalt  }
0x74: {  	_ =	shalt  }
0x75: {  	_ =	shalt  }
0x76: {  	_ =	shalt  }
0x77: {  	_ =	shalt  }
0x78: {  	_ =	shalt  }
0x79: {  	_ =	shalt  }
0x7a: {  	_ =	shalt  }
0x7b: {  	_ =	shalt  }
0x7c: {  	_ =	shalt  }
0x7d: {  	_ =	shalt  }
0x7e: {  	_ =	shalt  }
0x7f: {  	_ =	shalt  }
0x80: {  	_ =	shalt  }
0x81: {  	_ =	shalt  }
0x82: {  	_ =	shalt  }
0x83: {  	_ =	shalt  }
0x84: {  	_ =	shalt  }
0x85: {  	_ =	shalt  }
0x86: {  	_ =	shalt  }
0x87: {  	_ =	shalt  }
.Lfunc_end0:
.L_simem_size_0:
called_computation_lowered:
.L_overlay_start_0:
0x88: {  	s2 =	sld [smem:$0x3FD9]  }
0x89: {  	s3 =	sld [smem:$0x3FFE];
	_ =	sdelay $0x1  }
0x8a: {  	s1 =	srdreg.scid  }
0x8b: {  	s0 =	sand.u32 $0x1, s1  }
0x8c: {  	s17 =	sshll.u32 s0, $0xA;
	s2 =	sadd.s32 s3, s2  }
0x8d: {  	s2 =	sadd.s32 s2, s17  }
0x8e: {  	[smem:$0x3FC4] =	sst s2  }
0x8f: {  	_ = 	snop  }
0x90: {  	s2 =	sld [smem:$0x3FC9]  }
0x91: {  	s18 =	sld [smem:$0x3FC8]  }
0x92: {  	s4 =	sld [smem:$0x3FC6]  }
0x93: {  	s5 =	sld [smem:$0x3FD0];
	(tm) =	ssettm $0x1  }
0x94: {  	s6 =	sld [smem:$0x3FFB];
	_ =	sdelay $0x3  }
0x95: {  	_ =	strace s6  }
0x96: {  	s6 =	sld [smem:$0x3FFC];
	_ =	sdelay $0x3  }
0x97: {  	_ =	strace s6  }
0x98: {  	s6 =	sld [smem:$0x3FFD];
	_ =	sdelay $0x3  }
0x99: {  	_ =	strace s6  }
0x9a: {  	_ =	strace $0x8FFFFFFF  }
0x9b: {  	s19 =	sld [smem:$0x3FDB];
	_ =	sdelay $0x1  }
0x9c: {  	s7 =	simm.s32 $_scs_section_size  }
0x9d: {  	s8 =	simm.s32 $_size__tile_overlayer_lowered;
	s9 =	simm.s32 $_tile_overlayer_lowered  }
0x9e: {  	s22 =	simm.s32 $0x1BFF;
	s21 =	sshll.u32 s9, $0x1;
	s6 =	sadd.s32 s7, s19  }
0x9f: {  	s10 =	simm.s32 $0x0;
	s20 =	sshll.u32 s8, $0x1;
	s8 =	sadd.s32 s21, s6  }
0xa0: {  	[timem:s10], [sflag:s22] =	dma.local [hbm:s8], s20  }
0xa1: {  	_ =	swait.ge [sflag:s22], s20  }
0xa2: {  	s7 =	ssub.s32 $0x0, s20;
	[sflag:s22] =	ssyncset.done $0x0  }
0xa3: {  	[sflag:s22] =	ssyncadd.s32 s7;
	_ =	sdelay $0x1  }
0xa4: {  	s23 =	simm.s32 $0x1B8B  }
0xa5: {  	_ =	swait.ge [sflag:s23], $0x1  }
0xa6: {  	[sflag:s23] =	ssyncset.done $0x0  }
0xa7: {  	s25 =	simm.s32 $0x1B8E;
	s24 =	sld [smem:$0x3FFE];
	[sflag:s23] =	ssyncadd.s32 $0xFFFFFFFF  }
0xa8: {  	s26 =	simm.s32 $execute0_lowered;
	[smem:$0x3FD2] =	sst s25  }
0xa9: {  	s8 =	sshll.u32 s26, $0x1;
	_ =	strace $0x80000046;
	[dreg:$0x1] =	wrdreg $0xFFFFFFFF  }
0xaa: {  	s28 =	simm.s32 $_size_execute0_lowered;
	s6 =	sadd.s32 s6, s8;
	[dreg:$0x0] =	wrdreg $0x0  }
0xab: {  	s8 =	sshll.u32 s28, $0x1;
	[dreg:$0x2] =	wrdreg s6  }
0xac: {  	[dreg:$0x3] =	wrdreg s8  }
0xad: {  	[dreg:$0x4] =	wrdreg $0xC0  }
0xae: {  	_ =	task [dreg:s10], $0x5FFFF  }
0xaf: {  	[dreg:$0x1] =	wrdreg $0xFFFFFFFF  }
0xb0: {  	[dreg:$0x0] =	wrdreg $0x60  }
0xb1: {  	[dreg:$0x2] =	wrdreg s2  }
0xb2: {  	[dreg:$0x3] =	wrdreg s18  }
0xb3: {  	[dreg:$0x4] =	wrdreg s24  }
0xb4: {  	[dreg:$0x5] =	wrdreg s4  }
0xb5: {  	[dreg:$0x6] =	wrdreg s5  }
0xb6: {  	[dreg:$0x7] =	wrdreg $0x9  }
0xb7: {  	_ =	task.clear_ibuf [dreg:s10], $0x8FFFF;
	_ =	strace $0x90000046  }
0xb8: {  	s29 =	simm.s32 $0x9;
	_ =	strace $0x80000048  }
0xb9: {  	_ =	swait.ge [sflag:s29], $0x1  }
0xba: {  	[sflag:s29] =	ssyncadd.s32 $0xFFFFFFFF  }
0xbb: {  	_ =	strace $0x90000048  }
0xbc: {  	_ =	sfence  }
0xbd: {  	s30 =	sld [smem:$0x0];
	_ =	sdelay $0x2  }
0xbe: {  	s31 =	sshll.u32 s1, $0xD;
	s1 =	sshrl.u32 s1, $0x2  }
0xbf: {  	s3 =	sand.u32 $0x4000, s31;
	s1 =	sadd.s32 s1, s30  }
0xc0: {  	s0 =	sor.u32 s3, s0;
	s1 =	sshll.u32 s1, $0x11  }
0xc1: {  	s0 =	sor.u32 s1, s0  }
0xc2: {  	s0 =	sadd.s32 $0x8F2B, s0  }
0xc3: {  	[sflag:s0] =	ssyncadd.remote.s32 $0x1  }
0xc4: {  	_ =	sfence.sel $0xFFFF  }
0xc5: {  	[dreg:$0x0] =	wrdreg $0xFFFFFFFF;
	(pc) =	sbr.abs _section_cstart, $3  }
0xc6: {  	[dreg:$0x1] =	wrdreg $0xFFFFFFFF  }
0xc7: {  	_ =	task.clear_ibuf [dreg:s10], $0x2FFFF;
	_ =	strace $0x9FFFFFFF  }
0xc8: {  	(tm) =	ssettm $0x7FFFFFFF  }
0xc9: {  	_ =	shalt  }
tec
execute0_lowered:
.L_overlay_start_1:
0x0: {  	(tag) =	ssettag $0x1  }
0x1: {  	v0 =	vimm.s32 $0xFEDCBA98  }
0x2: {  	v1 =	vimm.s32 $0x76543210;
	v3 =	vimm.s32 $0x32107654;
	v4 =	vimm.s32 $0xDCFE98BA  }
0x3: {  	v5 =	vimm.s32 $0x54761032;
	v6 =	vimm.s32 $0xEFCDAB89;
	v7 =	vimm.s32 $0x67452301  }
0x4: {  	vm0 =	vcmask $0x130C;
	vm1 =	vcmask $0x33C;
	vm2 =	vcmask $0x231C  }
0x5: {  	vm3 =	vcmask $0x332C;
	vm7 =	vcmask $0xB08;
	vm4 =	vcmask $0x2718  }
0x6: {  	vm5 =	vcmask $0x738;
	vm9 =	vcmask $0x2B28;
	vm6 =	vcmask $0x3734  }
0x7: {  	vm8 =	vcmask $0x1310;
	vm10 =	vcmask $0x1710;
	vm11 =	vcmask $0x1B18  }
0x8: {  	vm12 =	vcmask $0x2F28;
	vm13 =	vcmask $0x2F2C;
	vm14 =	vcmask $0x2720  }
0x9: {  	v11 =	vimm.s32 $0x1;
	v12 =	vimm.s32 $0x2;
	v13 =	vimm.s32 $0x3  }
0xa: {  	v14 =	vimm.s32 $0x4;
	v15 =	vimm.s32 $0x5;
	v16 =	vimm.s32 $0x6  }
0xb: {  	v17 =	vimm.s32 $0x7;
	v18 =	vimm.s32 $0x8;
	v0 =	vunpack.c.l.s4.s8 v0  }
0xc: {  	v1 =	vunpack.c.l.s4.s8 v1;
	v3 =	vunpack.c.l.s4.s8 v3;
	v4 =	vunpack.c.l.s4.s8 v4  }
0xd: {  	v5 =	vunpack.c.l.s4.s8 v5;
	v6 =	vunpack.c.l.s4.s8 v6;
	vm0 =	vmor vm1, vm0  }
0xe: {  	v7 =	vunpack.c.l.s4.s8 v7;
	vm0 =	vmor vm0, vm2;
	v0 =	vunpack.c.0.s8.s32 v0  }
0xf: {  	v1 =	vunpack.c.0.s8.s32 v1;
	v3 =	vunpack.c.0.s8.s32 v3;
	v4 =	vunpack.c.0.s8.s32 v4  }
0x10: {  	v5 =	vunpack.c.0.s8.s32 v5;
	v6 =	vunpack.c.0.s8.s32 v6;
	v7 =	vunpack.c.0.s8.s32 v7  }
0x11: {  	vm0 =	vmor vm0, vm3;
	vm3 =	vmor vm1, vm7;
	vm1 =	vcmask $0x1714  }
0x12: {  	vm1 =	vmor vm3, vm1;
	vm3 =	vmor vm3, vm8;
	v2 =	vand.u32 $0xF, v0  }
0x13: {  	v0 =	vimm.s32 $0xBA98FEDC;
	v4 =	vcombine.low v5, v4;
	v5 =	vcombine.low v7, v6  }
0x14: {  	s0 =	rddreg [dreg:$0x0];
	v6 =	vlaneseq.u32;
	vm2 =	vmor vm1, vm2;
	vm1 =	vmor vm5, vm4  }
0x15: {  	s8 =	rddreg [dreg:$0x1];
	vm4 =	vmor vm5, vm10;
	vm3 =	vmor vm3, vm11;
	vm5 =	vcmask $0x2724  }
0x16: {  	s7 =	rddreg [dreg:$0x2];
	v0 =	vunpack.c.l.s4.s8 v0;
	v1 =	vcombine.low v2, v1;
	vm2 =	vmor vm2, vm9  }
0x17: {  	s1 =	rddreg [dreg:$0x3];
	vm5 =	vmor vm3, vm5;
	vm3 =	vcmask $0xF30;
	vm4 =	vmor vm4, vm12  }
0x18: {  	s3 =	rddreg [dreg:$0x4];
	vm12 =	vcmask $0x300;
	v10 =	vmul.u32 $0xFFFFFFFF, v6;
	v7 =	vand.u32 $0xF, v5  }
0x19: {  	s2 =	rddreg [dreg:$0x5];
	s4 =	simm.s32 $0x0;
	vm2 =	vmor vm2, vm6;
	vm5 =	vmor vm5, vm13;
	vm13 =	vcmask $0x2F20  }
0x1a: {  	s6 =	srdreg.scid;
	s5 =	stileid.u32;
	s12 =	simm.s32 $0x5000;
	vm7 =	vmor vm12, vm7;
	vm12 =	vcmask $0x700;
	v8 =	vunpack.c.0.s8.s32 v0  }
0x1b: {  	s13 =	simm.s32 $0xFF800000;
	s14 =	simm.s32 $0x10;
	s15 =	simm.s32 $0x5080;
	v0 =	vimm.f32 $-Inf;
	vm5 =	vmor vm5, vm6;
	vm6 =	vmmov $0xff  }
0x1c: {  	s16 =	simm.s32 $0x5100;
	s17 =	simm.s32 $0x1;
	s18 =	simm.s32 $0x5900;
	vm10 =	vmor vm12, vm10;
	vm12 =	vcmask $0xF00;
	vm7 =	vmor vm7, vm8  }
0x1d: {  	s19 =	simm.s32 $0x0;
	s23 =	simm.s32 $0x0;
	[smem:$0x7FF] =	sst s4;
	v10 =	vadd.s32 $0xF, v10;
	vm7 =	vmor vm7, vm11;
	vm11 =	vcmask $0x2320  }
.Ltmp0:
0x1e: {  	s6 =	sand.u32 $0x1, s6;
	s10 =	sshll.u32 s5, $0x5;
	vm8 =	vmor vm12, vm13;
	vm10 =	vmor vm10, vm14;
	vm12 =	vcmask $0x3730;
	(pc) =	sbr.rel .LBB2_1-.Ltmp0, $4  }
0x1f: {  	s7 =	sadd.s32 $0x186E00, s7;
	s9 =	ssub.s32 $0x2, s6;
	s6 =	sshll.u32 s6, $0x4;
	vm13 =	vcmask $0x3B38;
	v2 =	vcombine.low v3, v8;
	vm11 =	vmor vm7, vm11  }
0x20: {  	_ =	strace $0x80000047;
	s11 =	sshrl.u32 s9, $0x1;
	s6 =	sor.u32 s6, s10;
	v3 =	vimm.s32 $0x0;
	vm9 =	vmor vm11, vm9;
	vm11 =	vcmask $0x3330  }
0x21: {  	s9 =	ssub.s32 s9, s11;
	s10 =	sshrl.u32 s6, $0x3;
	s11 =	simm.s32 $0x2;
	v8 =	vand.u32 $0xF, v4;
	v9 =	vand.u32 $0xF, v2;
	vm11 =	vmor vm9, vm11  }
0x22: {  	s8 =	sadd.s32 s8, s10;
	s9 =	smax.u32 s9, $0x1;
	s10 =	simm.s32 $0x4F80;
	vm9 =	vmor vm10, vm12;
	vm10 =	vmor vm11, vm13;
	vm11 =	vcmask $0x1F24  }
.LBB2_9:
0x23: {  	s19 =	sadd.s32 $0x1, s19  }
0x24: {  	p0 =	sne.s32 s19, s9  }
.Ltmp1:
0x25: {  	_ = 	snop;
	(pc) =	sbr.rel @!p0 .LBB2_10-.Ltmp1, $1  }
0x26: {  	_ =	sdelay $0x3  }
.LBB2_1:
0x27: {  	[tilespmem:s10], [sflag:$0x2] =	stream.linear.gather [hbm4b:s8+s4], $0x10, $0x38;
	[tilespmem:$0x5A00] =	vst v63  }
0x28: {  	_ =	swait.ge [sflag:s11], $0x10  }
0x29: {  	[sflag:s11] =	ssyncset.done $0x0  }
.Ltmp2:
0x2a: {  	[sflag:s11] =	ssyncadd.s32 $0xFFFFFFF0;
	(pc) =	sbr.rel .LBB2_2-.Ltmp2, $4  }
0x2b: {  	[tilespmem:s12], [sflag:$0x2] =	stream.linear.gather [hbm4b:s1+s4], $0x80, $0x38;
	[tilespmem:$0x5A00] =	vst v63  }
0x2c: {  	_ =	swait.ge [sflag:s11], $0x80  }
0x2d: {  	[sflag:s11] =	ssyncset.done $0x0  }
0x2e: {  	s20 =	simm.s32 $0x0;
	[sflag:s11] =	ssyncadd.s32 $0xFFFFFF80  }
.LBB2_8:
0x2f: {  	v19 =	vld [tilespmem:$0x4E80]  }
0x30: {  	v21 =	vld [tilespmem:$0x4F80]  }
0x31: {  	v22 =	vld [tilespmem:$0x4F00];
	_ =	sdelay $0x2  }
0x32: {  	v23 =	vnsel vm6, $0x0, v19;
	v19 =	vmov s20  }
0x33: {  	v19 =	vperm.xlane v21, v19  }
0x34: {  	v22 =	vnsel vm6, $0x0, v22  }
0x35: {  	v22 =	vsel vm11, v22, v19  }
0x36: {  	v49 =	vshra.s32 v22, $0x1  }
0x37: {  	[tilespmem:$0x5080] =	vst v49  }
0x38: {  	[tilespmem:s16], [sflag:$0x1] =	stream.indirect.gather [hbm4b:s7+s14], $0x80, s15, s14, $0xb8;
	[tilespmem:$0x5A00] =	vst v63  }
0x39: {  	_ =	swait.ge [sflag:s17], $0x800  }
0x3a: {  	v25 =	vperm.xlane v20, v1;
	v24 =	vperm.xlane v23, v1;
	[sflag:s17] =	ssyncset.done $0x0  }
0x3b: {  	[sflag:s17] =	ssyncadd.s32 $0xFFFFF800  }
0x3c: {  	v20 =	vadd.f32 v25, v20;
	v48 =	vadd.f32 v24, v23;
	v52 =	vld [tilespmem:$0x5010]  }
0x3d: {  	v27 =	vld [tilespmem:$0x5020]  }
0x3e: {  	v26 =	vperm.xlane v20, v9;
	v24 =	vperm.xlane v48, v9;
	v53 =	vld [tilespmem:$0x5100]  }
0x3f: {  	v54 =	vld [tilespmem:$0x5140]  }
0x40: {  	v20 =	vadd.f32 v26, v20;
	v21 =	vadd.f32 v24, v48;
	v55 =	vld [tilespmem:$0x5180]  }
0x41: {  	v31 =	vld [tilespmem:$0x51C0]  }
0x42: {  	v50 =	vperm.xlane v20, v8;
	v24 =	vperm.xlane v21, v8;
	v33 =	vld [tilespmem:$0x5200]  }
0x43: {  	v34 =	vld [tilespmem:$0x5240]  }
0x44: {  	v20 =	vadd.f32 v50, v20;
	v38 =	vld [tilespmem:$0x5280];
	v24 =	vadd.f32 v24, v21  }
0x45: {  	v36 =	vld [tilespmem:$0x52C0]  }
0x46: {  	v28 =	vperm.xlane v20, v7;
	v42 =	vld [tilespmem:$0x5300];
	v51 =	vperm.xlane v24, v7  }
0x47: {  	v56 =	vld [tilespmem:$0x5340]  }
0x48: {  	v20 =	vadd.f32 v28, v20;
	v43 =	vld [tilespmem:$0x5380];
	v24 =	vadd.f32 v51, v24  }
0x49: {  	v44 =	vld [tilespmem:$0x53C0]  }
0x4a: {  	v22 =	vand.u32 $0x1, v22;
	v47 =	vld [tilespmem:$0x5480];
	v20 =	vmul.f32 $6.931471820e-01, v20;
	v24 =	vadd.f32 $1.000000010e-10, v24  }
0x4b: {  	v40 =	vcvt.s32.f32 v22;
	v48 =	vld [tilespmem:$0x54C0]  }
0x4c: {  	v39 =	vld [tilespmem:$0x5510];
	v20 =	vadd.f32 $0.0e+00, v20;
	(erf) = vrcp.f32 v24  }
0x4d: {  	v30 =	vperm.xlane v40, v3;
	v32 =	vperm.xlane v40, v11;
	v41 =	vld [tilespmem:$0x5550]  }
0x4e: {  	v26 =	vperm.xlane v40, v14;
	v25 =	vperm.xlane v40, v15;
	v50 =	vld [tilespmem:$0x5110];
	v20 =	vsub.f32 v20, v27  }
0x4f: {  	v28 =	vperm.xlane v40, v12;
	v63 =	vld [tilespmem:$0x5150];
	v57 =	vsub.f32 v54, v53;
	v61 =	vsub.f32 v31, v55  }
0x50: {  	v27 =	vperm.xlane v40, v13;
	v34 =	vsub.f32 v34, v33;
	v49 =	vsub.f32 v36, v38  }
0x51: {  	v45 =	vld [tilespmem:$0x5400];
	v22 =	vsub.f32 v56, v42;
	v44 =	vsub.f32 v44, v43;
	v20 =	vmul.f32 v20, v52  }
0x52: {  	v46 =	vld [tilespmem:$0x5440];
	v48 =	vsub.f32 v48, v47;
	v60 =	vmul.f32 v57, v30;
	v62 =	vmul.f32 v61, v32  }
0x53: {  	v41 =	vsub.f32 v41, v39;
	v34 =	vmul.f32 v34, v28;
	v49 =	vmul.f32 v49, v27  }
0x54: {  	v37 =	vld [tilespmem:$0x5500];
	v61 =	vmul.f32 v22, v26;
	v57 =	vsub.f32 v63, v50;
	v20 =	vsub.f32 $0.0e+00, v20  }
0x55: {  	v29 =	vld [tilespmem:$0x5540];
	v22 =	vperm.xlane v40, v18;
	v24 =	vadd.f32 v62, v55;
	v33 =	vadd.f32 v34, v33;
	v58 =	vpop (erf)  }
0x56: {  	v38 =	vadd.f32 v49, v38;
	v59 =	vmul.f32 $1.442695020e+00, v20;
	v20 =	vmul.f32 v58, v23  }
0x57: {  	v44 =	vmul.f32 v44, v25;
	v42 =	vadd.f32 v61, v42;
	v62 =	vsub.f32 v46, v45;
	v46 =	vld [tilespmem:$0x5350]  }
0x58: {  	v63 =	vmul.f32 v57, v30;
	v23 =	vadd.f32 v60, v53;
	v58 =	vld [tilespmem:$0x5310];
	v31 =	vbroadcast v20, $0x0  }
0x59: {  	v52 =	vld [tilespmem:$0x5190];
	v43 =	vadd.f32 v44, v43;
	v41 =	vmul.f32 v41, v22;
	(erf) = vpow2.f32 v59  }
0x5a: {  	v53 =	vsub.f32 v29, v37;
	v60 =	vld [tilespmem:$0x51D0];
	v35 =	vbroadcast v20, $0x1;
	v23 =	vmul.f32 v23, v31  }
0x5b: {  	v54 =	vld [tilespmem:$0x5210];
	v39 =	vadd.f32 v41, v39;
	v36 =	vbroadcast v20, $0x2;
	v29 =	vbroadcast v20, $0x4  }
0x5c: {  	v55 =	vld [tilespmem:$0x5250];
	v53 =	vmul.f32 v53, v22;
	v51 =	vmul.f32 v24, v35;
	v23 =	vadd.f32 $0.0e+00, v23  }
0x5d: {  	v34 =	vbroadcast v20, $0x5;
	v24 =	vperm.xlane v40, v16;
	v46 =	vsub.f32 v46, v58  }
0x5e: {  	v56 =	vld [tilespmem:$0x52D0];
	v59 =	vmul.f32 v33, v36;
	v33 =	vbroadcast v20, $0x3;
	v23 =	vadd.f32 v51, v23  }
0x5f: {  	v49 =	vld [tilespmem:$0x5290];
	v42 =	vmul.f32 v42, v29;
	v46 =	vmul.f32 v46, v26;
	v51 =	vsub.f32 v60, v52  }
0x60: {  	v57 =	vld [tilespmem:$0x53D0];
	v43 =	vmul.f32 v43, v34;
	v38 =	vmul.f32 v38, v33;
	v23 =	vadd.f32 v59, v23  }
0x61: {  	v60 =	vsub.f32 v55, v54;
	v55 =	vld [tilespmem:$0x5410];
	v46 =	vadd.f32 v46, v58;
	v59 =	vmul.f32 v51, v32  }
0x62: {  	v44 =	vmul.f32 v62, v24;
	v58 =	vld [tilespmem:$0x52A0];
	v38 =	vadd.f32 v38, v23;
	v23 =	vadd.f32 v53, v37  }
0x63: {  	v46 =	vmul.f32 v46, v29;
	v53 =	vld [tilespmem:$0x5390];
	v37 =	vadd.f32 v63, v50;
	v62 =	vadd.f32 v59, v52  }
0x64: {  	v51 =	vld [tilespmem:$0x5490];
	v63 =	vmul.f32 v60, v28;
	v60 =	vsub.f32 v56, v49;
	v42 =	vadd.f32 v42, v38  }
0x65: {  	v52 =	vld [tilespmem:$0x5160];
	v38 =	vperm.xlane v40, v17;
	v40 =	vadd.f32 v44, v45;
	v61 =	vmul.f32 v37, v31  }
0x66: {  	v37 =	vbroadcast v20, $0x6;
	v45 =	vmul.f32 v62, v35;
	v50 =	vadd.f32 v63, v54;
	v54 =	vld [tilespmem:$0x5120]  }
0x67: {  	v42 =	vadd.f32 v43, v42;
	v43 =	vld [tilespmem:$0x5450];
	v44 =	vadd.f32 $0.0e+00, v61;
	v61 =	vmul.f32 v60, v27  }
0x68: {  	v59 =	vmul.f32 v40, v37;
	v48 =	vmul.f32 v48, v38;
	v60 =	vld [tilespmem:$0x51E0];
	v57 =	vsub.f32 v57, v53  }
0x69: {  	v44 =	vadd.f32 v45, v44;
	v45 =	vmul.f32 v50, v36;
	v50 =	vld [tilespmem:$0x51A0];
	v49 =	vadd.f32 v61, v49  }
0x6a: {  	v40 =	vbroadcast v20, $0x7;
	v47 =	vadd.f32 v48, v47;
	v63 =	vmul.f32 v57, v25;
	v57 =	vld [tilespmem:$0x5260]  }
0x6b: {  	v52 =	vsub.f32 v52, v54;
	v44 =	vadd.f32 v45, v44;
	v45 =	vld [tilespmem:$0x5220];
	v62 =	vmul.f32 v49, v33  }
0x6c: {  	v42 =	vadd.f32 v59, v42;
	v47 =	vmul.f32 v47, v40;
	v49 =	vld [tilespmem:$0x52E0];
	v61 =	vadd.f32 v63, v53  }
0x6d: {  	v56 =	vld [tilespmem:$0x54D0];
	v63 =	vmul.f32 v52, v30;
	v43 =	vsub.f32 v43, v55;
	v44 =	vadd.f32 v62, v44  }
0x6e: {  	v59 =	vld [tilespmem:$0x5320];
	v42 =	vadd.f32 v47, v42;
	v60 =	vsub.f32 v60, v50  }
0x6f: {  	v47 =	vadd.f32 v63, v54;
	v43 =	vmul.f32 v43, v24;
	v62 =	vpop (erf);
	v44 =	vadd.f32 v46, v44;
	v46 =	vld [tilespmem:$0x53E0]  }
0x70: {  	v61 =	vmul.f32 v61, v34;
	v53 =	vadd.f32 $1.000000000e+00, v62;
	v62 =	vld [tilespmem:$0x5360];
	v63 =	vsub.f32 v57, v45  }
0x71: {  	v52 =	vmul.f32 v60, v32;
	v57 =	vld [tilespmem:$0x53A0];
	v49 =	vsub.f32 v49, v58;
	v43 =	vadd.f32 v43, v55  }
0x72: {  	v47 =	vmul.f32 v47, v31;
	v44 =	vadd.f32 v61, v44;
	v61 =	vsub.f32 v56, v51;
	v56 =	vld [tilespmem:$0x5460]  }
0x73: {  	(erf) = vrcp.f32 v53;
	v50 =	vadd.f32 v52, v50;
	v60 =	vmul.f32 v63, v28;
	v53 =	vld [tilespmem:$0x5420]  }
0x74: {  	v47 =	vadd.f32 $0.0e+00, v47;
	v52 =	vld [tilespmem:$0x5130];
	v49 =	vmul.f32 v49, v27;
	v54 =	vmul.f32 v61, v38  }
0x75: {  	v50 =	vmul.f32 v50, v35;
	v45 =	vadd.f32 v60, v45;
	v48 =	vsub.f32 v62, v59;
	v62 =	vld [tilespmem:$0x5170]  }
0x76: {  	v63 =	vld [tilespmem:$0x51F0];
	v49 =	vadd.f32 v49, v58;
	v51 =	vadd.f32 v54, v51  }
0x77: {  	v47 =	vadd.f32 v50, v47;
	v45 =	vmul.f32 v45, v36;
	v50 =	vld [tilespmem:$0x51B0];
	v48 =	vmul.f32 v48, v26  }
0x78: {  	v43 =	vmul.f32 v43, v37;
	v46 =	vsub.f32 v46, v57;
	v60 =	vmul.f32 v51, v40;
	v51 =	vld [tilespmem:$0x54A0]  }
0x79: {  	v49 =	vmul.f32 v49, v33;
	v45 =	vadd.f32 v45, v47;
	v47 =	vld [tilespmem:$0x5230];
	v48 =	vadd.f32 v48, v59  }
0x7a: {  	v43 =	vadd.f32 v43, v44;
	v59 =	vld [tilespmem:$0x5270];
	v55 =	vsub.f32 v62, v52  }
0x7b: {  	v45 =	vadd.f32 v49, v45;
	v49 =	vld [tilespmem:$0x52B0];
	v62 =	vmul.f32 v46, v25;
	v48 =	vmul.f32 v48, v29  }
0x7c: {  	v43 =	vadd.f32 v60, v43;
	v46 =	vld [tilespmem:$0x54E0];
	v61 =	vsub.f32 v63, v50;
	v30 =	vmul.f32 v55, v30  }
0x7d: {  	v55 =	vld [tilespmem:$0x52F0];
	v44 =	vadd.f32 v48, v45;
	v45 =	vadd.f32 v62, v57  }
0x7e: {  	v58 =	vld [tilespmem:$0x5370];
	v32 =	vmul.f32 v61, v32;
	v57 =	vsub.f32 v56, v53;
	v30 =	vadd.f32 v30, v52  }
0x7f: {  	v48 =	vld [tilespmem:$0x5330];
	v63 =	vsub.f32 v59, v47;
	v52 =	vsub.f32 v42, v23  }
0x80: {  	v21 =	vld [tilespmem:$0x5000];
	v59 =	vadd.f32 v32, v50;
	v60 =	vmul.f32 v45, v34;
	v61 =	vmul.f32 v57, v24  }
0x81: {  	v56 =	vld [tilespmem:$0x5470];
	v57 =	vsub.f32 v46, v51;
	v30 =	vmul.f32 v30, v31;
	v28 =	vmul.f32 v63, v28  }
0x82: {  	v32 =	vld [tilespmem:$0x53B0];
	v62 =	vsub.f32 v55, v49;
	v31 =	vmul.f32 v59, v35;
	v35 =	vadd.f32 v60, v44  }
0x83: {  	v63 =	vld [tilespmem:$0x53F0];
	v41 =	vadd.f32 v61, v53;
	v28 =	vadd.f32 v28, v47  }
0x84: {  	v19 =	vadd.s32 $0xFFFFFF99, v19;
	v44 =	vld [tilespmem:$0x5430];
	v53 =	vpop (erf);
	v30 =	vadd.f32 $0.0e+00, v30;
	v55 =	vsub.f32 v58, v48  }
0x85: {  	v60 =	vld [tilespmem:$0x54F0];
	v21 =	vmul.f32 v53, v21;
	v53 =	vsub.f32 v43, v39;
	v27 =	vmul.f32 v62, v27  }
0x86: {  	v58 =	vld [tilespmem:$0x54B0];
	v62 =	vsub.s32 $0x0, v19;
	v54 =	vmul.f32 v41, v37;
	v28 =	vmul.f32 v28, v36  }
0x87: {  	v61 =	vld [tilespmem:$0x5520];
	v30 =	vadd.f32 v31, v30;
	v26 =	vmul.f32 v55, v26;
	v31 =	vmul.f32 v57, v38  }
0x88: {  	v19 =	vmin.u32 v19, v62;
	v27 =	vadd.f32 v27, v49;
	v59 =	vsub.f32 v63, v32;
	v63 =	vld [tilespmem:$0x5560]  }
0x89: {  	v49 =	vld [tilespmem:$0x5570];
	vm12 =	vlt.s32 v19, $0x1;
	v28 =	vadd.f32 v28, v30;
	v26 =	vadd.f32 v26, v48  }
0x8a: {  	v48 =	vld [tilespmem:$0x5530];
	v45 =	vsub.f32 v56, v44;
	v27 =	vmul.f32 v27, v33;
	v25 =	vmul.f32 v59, v25  }
0x8b: {  	v19 =	vnsel vm12, $0x1, v19;
	v50 =	vsub.f32 v60, v58;
	v26 =	vmul.f32 v26, v29  }
0x8c: {  	v24 =	vmul.f32 v45, v24;
	v27 =	vadd.f32 v27, v28;
	v25 =	vadd.f32 v25, v32  }
0x8d: {  	v31 =	vadd.f32 v31, v51;
	v19 =	vsub.s32 $0x1, v19;
	v51 =	vmul.f32 v50, v38  }
0x8e: {  	v24 =	vadd.f32 v24, v44;
	v26 =	vadd.f32 v26, v27;
	v25 =	vmul.f32 v25, v34  }
0x8f: {  	v19 =	vcvt.s32.f32 v19;
	v30 =	vsub.f32 v63, v61;
	v28 =	vsub.f32 v49, v48  }
0x90: {  	v55 =	vadd.f32 v51, v58;
	v24 =	vmul.f32 v24, v37;
	v25 =	vadd.f32 v25, v26  }
0x91: {  	v57 =	vadd.f32 v54, v35;
	v31 =	vmul.f32 v31, v40;
	v56 =	vmul.f32 v30, v22  }
0x92: {  	v22 =	vmul.f32 v28, v22;
	v58 =	vmul.f32 v55, v40;
	v24 =	vadd.f32 v24, v25  }
0x93: {  	v19 =	vmul.f32 v19, v21;
	v60 =	vadd.f32 v31, v57;
	v59 =	vadd.f32 v56, v61  }
0x94: {  	v22 =	vadd.f32 v22, v48;
	v24 =	vadd.f32 v58, v24  }
0x95: {  	v62 =	vmul.f32 v53, v19;
	v26 =	vsub.f32 v60, v59  }
0x96: {  	v61 =	vmul.f32 v52, v19;
	v24 =	vsub.f32 v24, v22  }
0x97: {  	[tilespmem:$0x5980] =	vst v20;
	v20 =	vadd.f32 v62, v39;
	v63 =	vmul.f32 v26, v19  }
0x98: {  	v23 =	vadd.f32 v61, v23;
	v19 =	vmul.f32 v24, v19  }
0x99: {  	[tilespmem:$0x5910] =	vst v20;
	v21 =	vadd.f32 v63, v59  }
0x9a: {  	s20 =	sadd.s32 $0x1, s20;
	[tilespmem:$0x5900] =	vst v23;
	v19 =	vadd.f32 v19, v22  }
0x9b: {  	s21 =	sshll.u32 s21, $0x3;
	p0 =	sne.s32 s20, $0x10;
	[tilespmem:$0x5920] =	vst v21  }
.Ltmp3:
0x9c: {  	s21 =	sadd.s32 s3, s21;
	[tilespmem:$0x5930] =	vst v19;
	(pc) =	sbr.rel @!p0 .LBB2_9-.Ltmp3, $4  }
0x9d: {  	[hbm4b:s21+s4] =	stream.linear.scatter [tilespmem:s18], [sflag:$0x2], $0x40, $0x38;
	[tilespmem:$0x5A00] =	vst v63  }
0x9e: {  	_ =	swait.ge [sflag:s11], $0x40  }
0x9f: {  	[sflag:s11] =	ssyncset.done $0x0  }
0xa0: {  	[sflag:s11] =	ssyncadd.s32 $0xFFFFFFC0  }
.LBB2_2:
.Ltmp4:
0xa1: {  	(pc) =	sbr.rel .LBB2_3-.Ltmp4, $3  }
0xa2: {  	_ =	sdelay $0x1  }
0xa3: {  	s21 =	sor.u32 s6, s20;
	[tilespmem:$0x4E80] =	vst v0;
	[smem:$0x0] =	sst s13;
	s29 =	simm.f32 $-Inf  }
0xa4: {  	[tilespmem:$0x4F00] =	vst v3;
	v20 =	vimm.f32 $0.0e+00;
	s24 =	simm.s32 $0x0;
	s25 =	simm.s32 $0x0;
	s22 =	smul.u32 $0x186A0, s21  }
.LBB2_7:
0xa5: {  	s25 =	sadd.s32 $0x1, s25  }
0xa6: {  	p0 =	sne.s32 s25, $0x5  }
.Ltmp5:
0xa7: {  	_ = 	snop;
	(pc) =	sbr.rel @!p0 .LBB2_8-.Ltmp5, $2  }
0xa8: {  	_ =	sdelay $0x2  }
0xa9: {  	s24 =	sadd.s32 $0x4E20, s24  }
.LBB2_3:
0xaa: {  	s26 =	smul.u32 $0x4E20, s25;
	_ =	sdelay $0x1  }
0xab: {  	s26 =	sadd.s32 s22, s26  }
0xac: {  	s26 =	sshrl.u32 s26, $0x3  }
.Ltmp6:
0xad: {  	s26 =	sadd.s32 s0, s26;
	(pc) =	sbr.rel .LBB2_4-.Ltmp6, $4  }
0xae: {  	[tilespmem:s23], [sflag:$0x2] =	stream.linear.gather [hbm4b:s26+s23], $0x4E20, $0x38;
	[tilespmem:$0x5A00] =	vst v63  }
0xaf: {  	_ =	swait.ge [sflag:s11], $0x4E20  }
0xb0: {  	[sflag:s11] =	ssyncset.done $0x0  }
0xb1: {  	s28 =	simm.s32 $0x0;
	s26 =	smov.u32 s24;
	[sflag:s11] =	ssyncadd.s32 $0xFFFFB1E0  }
.LBB2_6:
0xb2: {  	v21 =	vand.u32 $0x7FFFFF, v19  }
0xb3: {  	v21 =	vor.u32 $0x3F800000, v21  }
0xb4: {  	v21 =	vadd.f32 $-1.000000000e+00, v21;
	_ =	sdelay $0x1  }
0xb5: {  	v22 =	vmul.f32 $4.392910000e-02, v21;
	_ =	sdelay $0x1  }
0xb6: {  	v22 =	vadd.f32 $-1.898344310e-01, v22;
	_ =	sdelay $0x1  }
0xb7: {  	v22 =	vmul.f32 v22, v21;
	_ =	sdelay $0x1  }
0xb8: {  	v22 =	vadd.f32 $4.115641420e-01, v22;
	_ =	sdelay $0x1  }
0xb9: {  	v22 =	vmul.f32 v22, v21;
	_ =	sdelay $0x1  }
0xba: {  	v22 =	vadd.f32 $-7.072548860e-01, v22;
	_ =	sdelay $0x1  }
0xbb: {  	v22 =	vmul.f32 v22, v21;
	_ =	sdelay $0x1  }
0xbc: {  	v22 =	vadd.f32 $1.441592340e+00, v22;
	_ =	sdelay $0x1  }
0xbd: {  	v23 =	vshra.s32 v19, $0x17;
	v21 =	vmul.f32 v22, v21  }
0xbe: {  	v22 =	vadd.s32 $0xFFFFFF81, v23  }
0xbf: {  	s28 =	sadd.s32 $0x40, s28;
	v22 =	vcvt.s32.f32 v22;
	v21 =	vadd.f32 $1.437250380e-05, v21  }
0xc0: {  	p0 =	sne.s32 s28, $0x13880  }
.Ltmp7:
0xc1: {  	v21 =	vadd.f32 v22, v21;
	(pc) =	sbr.rel @!p0 .LBB2_7-.Ltmp7, $3  }
0xc2: {  	_ = 	snop  }
0xc3: {  	v19 =	vmul.f32 v21, v19;
	_ =	sdelay $0x1  }
0xc4: {  	s26 =	sadd.s32 $0x10, s26;
	v20 =	vadd.f32 v19, v20  }
.LBB2_4:
0xc5: {  	s30 =	sshra.s32 s28, $0x2  }
0xc6: {  	v19 =	vld [tilespmem:s30+$0x0];
	_ =	sdelay $0x4  }
0xc7: {  	v21 =	vperm.xlane v19, v1;
	_ =	sdelay $0x1  }
0xc8: {  	v21 =	vmax.f32 v19, v21  }
0xc9: {  	v22 =	vperm.xlane v21, v2;
	_ =	sdelay $0x1  }
0xca: {  	v21 =	vmax.f32 v21, v22  }
0xcb: {  	v22 =	vperm.xlane v21, v4;
	_ =	sdelay $0x1  }
0xcc: {  	v21 =	vmax.f32 v21, v22  }
0xcd: {  	v22 =	vperm.xlane v21, v5;
	_ =	sdelay $0x1  }
0xce: {  	v21 =	vmax.f32 v21, v22  }
0xcf: {  	(v2sf) =	vpush v21, $0x0;
	_ =	sdelay $0xe  }
0xd0: {  	s31 =	spop (v2sf)  }
0xd1: {  	p0 =	sgt.f32 s31, s29  }
.Ltmp8:
0xd2: {  	_ = 	snop;
	(pc) =	sbr.rel @!p0 .LBB2_6-.Ltmp8, $1  }
0xd3: {  	_ =	sdelay $0x3  }
0xd4: {  	v21 =	vperm.xlane v19, v7;
	_ =	sdelay $0x1  }
0xd5: {  	v22 =	vmin.f32 v19, v21;
	v23 =	vmax.f32 v19, v21  }
0xd6: {  	v22 =	vsel vm0, v22, v23  }
0xd7: {  	v23 =	vperm.xlane v22, v8;
	_ =	sdelay $0x1  }
0xd8: {  	v24 =	vmin.f32 v22, v23;
	v25 =	vmax.f32 v22, v23  }
0xd9: {  	v24 =	vsel vm1, v24, v25  }
0xda: {  	v25 =	vperm.xlane v24, v7;
	_ =	sdelay $0x1  }
0xdb: {  	v26 =	vmin.f32 v24, v25;
	v27 =	vmax.f32 v24, v25  }
0xdc: {  	v26 =	vsel vm2, v26, v27  }
0xdd: {  	v27 =	vperm.xlane v26, v9  }
0xde: {  	v28 =	vor.u32 s26, v6  }
0xdf: {  	v29 =	vperm.xlane v28, v7;
	v30 =	vmin.f32 v26, v27;
	v31 =	vmax.f32 v26, v27  }
0xe0: {  	vm12 =	vle.f32 v19, v21;
	vm13 =	vge.f32 v19, v21;
	v21 =	vsel vm3, v30, v31  }
0xe1: {  	v61 =	vsel vm12, v28, v29;
	v28 =	vsel vm13, v28, v29;
	v62 =	vperm.xlane v21, v8  }
0xe2: {  	v28 =	vsel vm0, v61, v28  }
0xe3: {  	v30 =	vperm.xlane v28, v8;
	v31 =	vmin.f32 v21, v62;
	v32 =	vmax.f32 v21, v62  }
0xe4: {  	vm12 =	vle.f32 v22, v23;
	vm13 =	vge.f32 v22, v23;
	v22 =	vsel vm4, v31, v32  }
0xe5: {  	v23 =	vsel vm12, v28, v30;
	v28 =	vsel vm13, v28, v30;
	v63 =	vperm.xlane v22, v7  }
0xe6: {  	v23 =	vsel vm1, v23, v28  }
0xe7: {  	v28 =	vperm.xlane v23, v7;
	v31 =	vmin.f32 v22, v63;
	v32 =	vmax.f32 v22, v63  }
0xe8: {  	vm12 =	vle.f32 v24, v25;
	vm13 =	vge.f32 v24, v25;
	v36 =	vsel vm5, v31, v32  }
0xe9: {  	v37 =	vsel vm12, v23, v28;
	v23 =	vsel vm13, v23, v28;
	v38 =	vperm.xlane v36, v1  }
0xea: {  	v23 =	vsel vm2, v37, v23  }
0xeb: {  	v25 =	vperm.xlane v23, v9;
	v31 =	vmin.f32 v36, v38;
	v32 =	vmax.f32 v36, v38  }
0xec: {  	vm12 =	vle.f32 v26, v27;
	vm13 =	vge.f32 v26, v27;
	v39 =	vsel vm6, v32, v31  }
0xed: {  	v40 =	vsel vm12, v23, v25;
	v23 =	vsel vm13, v23, v25;
	v41 =	vperm.xlane v39, v9  }
0xee: {  	v23 =	vsel vm3, v40, v23  }
0xef: {  	v27 =	vperm.xlane v23, v8;
	v31 =	vmin.f32 v39, v41;
	v32 =	vmax.f32 v39, v41  }
0xf0: {  	vm12 =	vle.f32 v21, v62;
	vm13 =	vge.f32 v21, v62;
	v21 =	vsel vm8, v32, v31  }
0xf1: {  	v42 =	vsel vm12, v23, v27;
	v23 =	vsel vm13, v23, v27;
	v43 =	vperm.xlane v21, v8  }
0xf2: {  	v23 =	vsel vm4, v42, v23  }
0xf3: {  	v29 =	vperm.xlane v23, v7;
	v31 =	vmin.f32 v21, v43;
	v32 =	vmax.f32 v21, v43  }
0xf4: {  	vm12 =	vle.f32 v22, v63;
	vm13 =	vge.f32 v22, v63;
	v22 =	vsel vm9, v32, v31  }
0xf5: {  	v44 =	vsel vm12, v23, v29;
	v23 =	vsel vm13, v23, v29;
	v45 =	vperm.xlane v22, v7  }
0xf6: {  	v46 =	vld [tilespmem:$0x4E80];
	v23 =	vsel vm5, v44, v23  }
0xf7: {  	v47 =	vperm.xlane v23, v1;
	v32 =	vmin.f32 v22, v45;
	v33 =	vmax.f32 v22, v45  }
0xf8: {  	vm12 =	vle.f32 v36, v38;
	vm13 =	vge.f32 v36, v38;
	v48 =	vsel vm10, v33, v32  }
0xf9: {  	v49 =	vsel vm12, v23, v47;
	v23 =	vsel vm13, v23, v47;
	v24 =	vperm.xlane v48, v10  }
0xfa: {  	v23 =	vsel vm6, v23, v49  }
0xfb: {  	v28 =	vperm.xlane v23, v9;
	v24 =	vsel vm6, v46, v24  }
0xfc: {  	vm12 =	vle.f32 v39, v41;
	vm13 =	vge.f32 v39, v41;
	v50 =	vperm.xlane v24, v1  }
0xfd: {  	v51 =	vsel vm12, v23, v28;
	v23 =	vsel vm13, v23, v28  }
0xfe: {  	v23 =	vsel vm8, v23, v51;
	v52 =	vmin.f32 v24, v50;
	v53 =	vmax.f32 v24, v50  }
0xff: {  	v54 =	vperm.xlane v23, v8;
	v26 =	vsel vm6, v53, v52  }
0x100: {  	vm12 =	vle.f32 v21, v43;
	vm13 =	vge.f32 v21, v43;
	v21 =	vperm.xlane v26, v9  }
0x101: {  	v55 =	vsel vm12, v23, v54;
	v23 =	vsel vm13, v23, v54  }
0x102: {  	v23 =	vsel vm9, v23, v55;
	v56 =	vmin.f32 v26, v21;
	v28 =	vmax.f32 v26, v21  }
0x103: {  	v57 =	vperm.xlane v23, v7;
	v27 =	vsel vm8, v28, v56  }
0x104: {  	vm12 =	vle.f32 v22, v45;
	vm13 =	vge.f32 v22, v45;
	v22 =	vld [tilespmem:$0x4F00];
	v28 =	vperm.xlane v27, v8  }
0x105: {  	v58 =	vsel vm12, v23, v57;
	v23 =	vsel vm13, v23, v57  }
0x106: {  	v23 =	vsel vm10, v23, v58;
	v59 =	vmin.f32 v27, v28;
	v60 =	vmax.f32 v27, v28  }
0x107: {  	v23 =	vperm.xlane v23, v10;
	v29 =	vsel vm9, v60, v59  }
0x108: {  	v30 =	vperm.xlane v29, v7  }
0x109: {  	v22 =	vsel vm6, v22, v23  }
0x10a: {  	v23 =	vperm.xlane v22, v1;
	v61 =	vmin.f32 v29, v30  }
0x10b: {  	vm12 =	vle.f32 v24, v50;
	vm13 =	vge.f32 v24, v50;
	(v2sf) =	vpush v61, $0x7  }
0x10c: {  	v62 =	vsel vm12, v22, v23;
	v22 =	vsel vm13, v22, v23  }
0x10d: {  	v22 =	vsel vm6, v22, v62  }
0x10e: {  	v23 =	vperm.xlane v22, v9  }
0x10f: {  	vm12 =	vle.f32 v26, v21;
	vm13 =	vge.f32 v26, v21  }
0x110: {  	v21 =	vsel vm12, v22, v23;
	v22 =	vsel vm13, v22, v23  }
0x111: {  	v21 =	vsel vm8, v22, v21  }
0x112: {  	v22 =	vperm.xlane v21, v8  }
0x113: {  	vm12 =	vle.f32 v27, v28;
	vm13 =	vge.f32 v27, v28  }
0x114: {  	v23 =	vsel vm12, v21, v22;
	v21 =	vsel vm13, v21, v22  }
0x115: {  	v21 =	vsel vm9, v21, v23  }
0x116: {  	v22 =	vperm.xlane v21, v7  }
.Ltmp9:
0x117: {  	vm12 =	vle.f32 v29, v30;
	vm13 =	vge.f32 v29, v30;
	v23 =	vmax.f32 v29, v30;
	(pc) =	sbr.rel .LBB2_6-.Ltmp9, $4  }
0x118: {  	v23 =	vsel vm7, v23, v61;
	v63 =	vsel vm12, v21, v22;
	v21 =	vsel vm13, v21, v22  }
0x119: {  	v22 =	vnsel vm6, $0xFF800000, v23;
	v21 =	vsel vm7, v21, v63  }
0x11a: {  	[tilespmem:$0x4E80] =	vst v22;
	v21 =	vnsel vm6, $0x0, v21;
	s29 =	spop (v2sf)  }
0x11b: {  	[tilespmem:$0x4F00] =	vst v21;
	[smem:$0x0] =	sst s29  }
.LBB2_10:
0x11c: {  	_ =	sfence.sel $0x180000  }
0x11d: {  	[bflag:$0x0] =	sbarrier.arrive $0xFFFF  }
0x11e: {  	p0 =	sne.s32 s5, $0x0;
	_ =	strace $0x90000047  }
0x11f: {  	s0 =	sadd.s32 @!p0 $0x100000, s2;
	[bflag:$0x2] =	sbarrier.arrive $0xFFFF  }
0x120: {  	[sflag:s0] =	ssyncadd.tile.s32 @!p0 $0x1;
	_ =	shalt  }
.Lfunc_end2:
_tile_overlayer_lowered:
.L_overlay_start_2:
0x121: {  	(tag) =	ssettag $0x2  }
0x122: {  	s0 =	rddreg [dreg:$0x0];
	s2 =	stileid.u32  }
0x123: {  	s1 =	rddreg [dreg:$0x1];
	p0 =	sne.s32 s2, $0x0  }
0x124: {  	s3 =	rddreg [dreg:$0x2];
	[bflag:$0x3] =	sbarrier.arrive $0xFFFF;
	s2 =	simm.s32 @!p0 $0x1C02  }
0x125: {  	[timem:s3], [sflag:s2] =	dma.local @!p0 [hbm:s0], s1  }
0x126: {  	s0 =	simm.s32 @!p0 $0x2  }
0x127: {  	_ =	swait.ge @!p0 [sflag:s0], s1  }
0x128: {  	s1 =	ssub.s32 @!p0 $0x0, s1;
	[sflag:s0] =	ssyncset.done @!p0 $0x0  }
0x129: {  	[sflag:s0] =	ssyncadd.s32 @!p0 s1  }
0x12a: {  	[bflag:$0x3] =	sbarrier.arrive $0xFFFF  }
0x12b: {  	_ =	shalt  }

</sc_bundles>
